<compile_context>
chip_gen: v7x
topology: tpu7x:2x2x1
jax: 0.10.2.dev20260603
libtpu: 0.0.44.dev20260713+nightly
codegen_flags: <defaults>
</compile_context>

<pallas_src>
import jax
import jax.numpy as jnp
from jax import lax
from jax.experimental import pallas as pl
from jax.experimental.pallas import tpu as pltpu
from jax.experimental.pallas import tpu_sc as plsc

D = 128
L = 16

_info = plsc.get_sparse_core_info()
NC, NS = _info.num_cores, _info.num_subcores
NW = NC * NS
NCHUNK = 128 // NW
CROWS = 128
SUB = 2


def _sc_body(x_hbm, w_hbm, out_hbm, x_v, rows_v, *sems):
    wid = lax.axis_index("s") * NC + lax.axis_index("c")

    pltpu.sync_copy(x_hbm, x_v)

    NSTG = NCHUNK * SUB
    gathers = []
    for g in range(NSTG):
        j, s = divmod(g, SUB)
        base = s * (CROWS // SUB)

        def fill_rows(l, carry, j=j, base=base):
            for t in range(D // L):
                sl = pl.ds(t * L, L)
                rows_v[j, base + l, sl] = x_v[base + l, sl].astype(jnp.float32)
            return carry

        lax.fori_loop(0, CROWS // SUB, fill_rows, 0)

        gathers.append(
            pltpu.async_copy(
                w_hbm.at[x_v.at[wid * NCHUNK + j, pl.ds(base, CROWS // SUB)]],
                rows_v.at[j, pl.ds(base, CROWS // SUB)],
                sems[g],
                add=True,
            )
        )

    outs = []
    for g in range(NSTG):
        j, s = divmod(g, SUB)
        base = s * (CROWS // SUB)
        gathers[g].wait()
        outs.append(
            pltpu.async_copy(
                rows_v.at[j, pl.ds(base, CROWS // SUB)],
                out_hbm.at[wid * NCHUNK + j, pl.ds(base, CROWS // SUB)],
                sems[NSTG + g],
            )
        )

    for c in outs:
        c.wait()


@jax.jit
def _embed(x, weight):
    mesh = plsc.VectorSubcoreMesh(core_axis_name="c", subcore_axis_name="s")
    fn = pl.kernel(
        _sc_body,
        out_type=jax.ShapeDtypeStruct((128, CROWS, D), jnp.float32),
        mesh=mesh,
        scratch_types=[
            pltpu.VMEM((128, 128), jnp.int32),
            pltpu.VMEM((NCHUNK, CROWS, D), jnp.float32),
        ]
        + [pltpu.SemaphoreType.DMA] * (2 * NCHUNK * SUB),
    )
    return fn(x, weight)


def kernel(x, weight):
    return _embed(x, weight)

# --- scband reference (transcript-rebuilt; emitter-appended) ---
"""Pipeline reference for scband-position-embedding-28552942584224 (READ-ONLY COPY).

The authoritative reference and input builder live on the scoring server;
editing this copy changes nothing except your own understanding.
"""

import jax, jax.numpy as jnp
import numpy as np

NUM_EMBEDDINGS = 1000000
EMBEDDING_DIM = 128


def setup_inputs(seed: int = 0) -> dict:
    key = jax.random.key(seed)
    k1, k2 = jax.random.split(key)
    x = jax.random.randint(k1, (128, 128), 0, NUM_EMBEDDINGS, dtype=jnp.int32)
    # xavier_normal_ on the embedding weight [V, D]: std = sqrt(2 / (fan_in + fan_out))
    std = float(np.sqrt(2.0 / (NUM_EMBEDDINGS + EMBEDDING_DIM)))
    weight = jax.random.normal(k2, (NUM_EMBEDDINGS, EMBEDDING_DIM), dtype=jnp.float32) * std
    return {"x": x, "weight": weight}


def reference(x, weight):
    # embeddings = self.weight(x)  -> gather rows of the table
    embeddings = jnp.take(weight, x, axis=0)  # [B, L, D] = [128, 128, 128]
    # return x + embeddings
    # torch broadcasts x [B, L] (viewed as [1, B, L]) against embeddings [B, L, D];
    # numpy/jax broadcasting rules are identical, so plain + is faithful.
    return x + embeddings

if __name__ == "__main__":
    import jax
    _d = setup_inputs()
    print(jax.jit(kernel)(*tuple(_d.values())))

</pallas_src>

<mosaic_0001>
#map = affine_map<(d0, d1) -> (0, 0)>
#map1 = affine_map<(d0, d1) -> (0, 0, 0)>
module attributes {stable_mosaic.version = 14 : i64} {
  func.func @_sc_body(%arg0: i32, %arg1: i32, %arg2: memref<128x128xi32, #tpu.memory_space<hbm>>, %arg3: memref<1000000x128xf32, #tpu.memory_space<hbm>>, %arg4: memref<128x128x128xf32, #tpu.memory_space<hbm>>, %arg5: memref<128x128xi32, #tpu.memory_space<vmem>>, %arg6: memref<4x128x128xf32, #tpu.memory_space<vmem>>, %arg7: memref<!tpu.dma_semaphore, #tpu.memory_space<semaphore_mem>>, %arg8: memref<!tpu.dma_semaphore, #tpu.memory_space<semaphore_mem>>, %arg9: memref<!tpu.dma_semaphore, #tpu.memory_space<semaphore_mem>>, %arg10: memref<!tpu.dma_semaphore, #tpu.memory_space<semaphore_mem>>, %arg11: memref<!tpu.dma_semaphore, #tpu.memory_space<semaphore_mem>>, %arg12: memref<!tpu.dma_semaphore, #tpu.memory_space<semaphore_mem>>, %arg13: memref<!tpu.dma_semaphore, #tpu.memory_space<semaphore_mem>>, %arg14: memref<!tpu.dma_semaphore, #tpu.memory_space<semaphore_mem>>, %arg15: memref<!tpu.dma_semaphore, #tpu.memory_space<semaphore_mem>>, %arg16: memref<!tpu.dma_semaphore, #tpu.memory_space<semaphore_mem>>, %arg17: memref<!tpu.dma_semaphore, #tpu.memory_space<semaphore_mem>>, %arg18: memref<!tpu.dma_semaphore, #tpu.memory_space<semaphore_mem>>, %arg19: memref<!tpu.dma_semaphore, #tpu.memory_space<semaphore_mem>>, %arg20: memref<!tpu.dma_semaphore, #tpu.memory_space<semaphore_mem>>, %arg21: memref<!tpu.dma_semaphore, #tpu.memory_space<semaphore_mem>>, %arg22: memref<!tpu.dma_semaphore, #tpu.memory_space<semaphore_mem>>) attributes {dimension_semantics = [#tpu.dimension_semantics<core_parallel>, #tpu.dimension_semantics<subcore_parallel>], iteration_bounds = array<i64: 2, 16>, scalar_prefetch = 0 : i64, scratch_operands = 18 : i64, tpu.core_type = #tpu.core_type<sc_vector_subcore>, window_params = [{transform_indices = #map}, {transform_indices = #map}, {transform_indices = #map1}]} {
    %mul3A = arith.constant 2 : i32
    %mul3A_0 = arith.muli %arg1, %mul3A : i32
    %add3A = arith.addi %mul3A_0, %arg0 : i32
    "tpu.region"() ({
      %run_scoped3A = tpu.sem_alloc : memref<!tpu.dma_semaphore, #tpu.memory_space<semaphore_mem>>
      tpu.enqueue_dma source(%arg2 : memref<128x128xi32, #tpu.memory_space<hbm>>) target(%arg5 : memref<128x128xi32, #tpu.memory_space<vmem>>) target_semaphore(%run_scoped3A : memref<!tpu.dma_semaphore, #tpu.memory_space<semaphore_mem>>)
      tpu.wait_dma2 semaphore(%run_scoped3A : memref<!tpu.dma_semaphore, #tpu.memory_space<semaphore_mem>>) src(%arg2 : memref<128x128xi32, #tpu.memory_space<hbm>>) dst(%arg5 : memref<128x128xi32, #tpu.memory_space<vmem>>)
      tpu.yield
    }) : () -> ()
    %scan3A = arith.constant 0 : i32
    %scan3A_1 = arith.constant 0 : i32
    %scan3A_2 = arith.constant 64 : i32
    %scan3A_3 = arith.addi %scan3A_1, %scan3A_2 : i32
    %scan3A_4 = arith.constant 1 : i32
    scf.for %scan3A_558 = %scan3A_1 to %scan3A_3 step %scan3A_4  : i32 {
      %add3A_559 = arith.constant 0 : i32
      %add3A_560 = arith.addi %add3A_559, %scan3A_558 : i32
      %get3A = arith.index_cast %add3A_560 : i32 to index
      %get3A_561 = arith.constant 0 : index
      %get3A_562 = tpu.vector_load %arg5[%get3A, %get3A_561] {strides = array<i32>} : memref<128x128xi32, #tpu.memory_space<vmem>>, vector<1x16xi32>,
      %get3A_563 = vector.shape_cast %get3A_562 : vector<1x16xi32> to vector<16xi32>
      %convert_element_type3A = arith.sitofp %get3A_563 : vector<16xi32> to vector<16xf32>
      %add3A_564 = arith.constant 0 : i32
      %add3A_565 = arith.addi %add3A_564, %scan3A_558 : i32
      %swap3A = arith.constant 0 : i32
      %swap3A_566 = arith.index_cast %swap3A : i32 to index
      %swap3A_567 = arith.index_cast %add3A_565 : i32 to index
      %swap3A_568 = arith.constant 0 : index
      %swap3A_569 = tpu.vector_load %arg6[%swap3A_566, %swap3A_567, %swap3A_568] {strides = array<i32>} : memref<4x128x128xf32, #tpu.memory_space<vmem>>, vector<1x1x16xf32>,
      %swap3A_570 = vector.shape_cast %swap3A_569 : vector<1x1x16xf32> to vector<16xf32>
      %swap3A_571 = vector.shape_cast %convert_element_type3A : vector<16xf32> to vector<1x1x16xf32>
      tpu.vector_store %arg6[%swap3A_566, %swap3A_567, %swap3A_568], %swap3A_571 {strides = array<i32>} : memref<4x128x128xf32, #tpu.memory_space<vmem>>, vector<1x1x16xf32>,
      %add3A_572 = arith.constant 0 : i32
      %add3A_573 = arith.addi %add3A_572, %scan3A_558 : i32
      %get3A_574 = arith.index_cast %add3A_573 : i32 to index
      %get3A_575 = arith.constant 16 : index
      %get3A_576 = tpu.vector_load %arg5[%get3A_574, %get3A_575] {strides = array<i32>} : memref<128x128xi32, #tpu.memory_space<vmem>>, vector<1x16xi32>,
      %get3A_577 = vector.shape_cast %get3A_576 : vector<1x16xi32> to vector<16xi32>
      %convert_element_type3A_578 = arith.sitofp %get3A_577 : vector<16xi32> to vector<16xf32>
      %add3A_579 = arith.constant 0 : i32
      %add3A_580 = arith.addi %add3A_579, %scan3A_558 : i32
      %swap3A_581 = arith.constant 0 : i32
      %swap3A_582 = arith.index_cast %swap3A_581 : i32 to index
      %swap3A_583 = arith.index_cast %add3A_580 : i32 to index
      %swap3A_584 = arith.constant 16 : index
      %swap3A_585 = tpu.vector_load %arg6[%swap3A_582, %swap3A_583, %swap3A_584] {strides = array<i32>} : memref<4x128x128xf32, #tpu.memory_space<vmem>>, vector<1x1x16xf32>,
      %swap3A_586 = vector.shape_cast %swap3A_585 : vector<1x1x16xf32> to vector<16xf32>
      %swap3A_587 = vector.shape_cast %convert_element_type3A_578 : vector<16xf32> to vector<1x1x16xf32>
      tpu.vector_store %arg6[%swap3A_582, %swap3A_583, %swap3A_584], %swap3A_587 {strides = array<i32>} : memref<4x128x128xf32, #tpu.memory_space<vmem>>, vector<1x1x16xf32>,
      %add3A_588 = arith.constant 0 : i32
      %add3A_589 = arith.addi %add3A_588, %scan3A_558 : i32
      %get3A_590 = arith.index_cast %add3A_589 : i32 to index
      %get3A_591 = arith.constant 32 : index
      %get3A_592 = tpu.vector_load %arg5[%get3A_590, %get3A_591] {strides = array<i32>} : memref<128x128xi32, #tpu.memory_space<vmem>>, vector<1x16xi32>,
      %get3A_593 = vector.shape_cast %get3A_592 : vector<1x16xi32> to vector<16xi32>
      %convert_element_type3A_594 = arith.sitofp %get3A_593 : vector<16xi32> to vector<16xf32>
      %add3A_595 = arith.constant 0 : i32
      %add3A_596 = arith.addi %add3A_595, %scan3A_558 : i32
      %swap3A_597 = arith.constant 0 : i32
      %swap3A_598 = arith.index_cast %swap3A_597 : i32 to index
      %swap3A_599 = arith.index_cast %add3A_596 : i32 to index
      %swap3A_600 = arith.constant 32 : index
      %swap3A_601 = tpu.vector_load %arg6[%swap3A_598, %swap3A_599, %swap3A_600] {strides = array<i32>} : memref<4x128x128xf32, #tpu.memory_space<vmem>>, vector<1x1x16xf32>,
      %swap3A_602 = vector.shape_cast %swap3A_601 : vector<1x1x16xf32> to vector<16xf32>
      %swap3A_603 = vector.shape_cast %convert_element_type3A_594 : vector<16xf32> to vector<1x1x16xf32>
      tpu.vector_store %arg6[%swap3A_598, %swap3A_599, %swap3A_600], %swap3A_603 {strides = array<i32>} : memref<4x128x128xf32, #tpu.memory_space<vmem>>, vector<1x1x16xf32>,
      %add3A_604 = arith.constant 0 : i32
      %add3A_605 = arith.addi %add3A_604, %scan3A_558 : i32
      %get3A_606 = arith.index_cast %add3A_605 : i32 to index
      %get3A_607 = arith.constant 48 : index
      %get3A_608 = tpu.vector_load %arg5[%get3A_606, %get3A_607] {strides = array<i32>} : memref<128x128xi32, #tpu.memory_space<vmem>>, vector<1x16xi32>,
      %get3A_609 = vector.shape_cast %get3A_608 : vector<1x16xi32> to vector<16xi32>
      %convert_element_type3A_610 = arith.sitofp %get3A_609 : vector<16xi32> to vector<16xf32>
      %add3A_611 = arith.constant 0 : i32
      %add3A_612 = arith.addi %add3A_611, %scan3A_558 : i32
      %swap3A_613 = arith.constant 0 : i32
      %swap3A_614 = arith.index_cast %swap3A_613 : i32 to index
      %swap3A_615 = arith.index_cast %add3A_612 : i32 to index
      %swap3A_616 = arith.constant 48 : index
      %swap3A_617 = tpu.vector_load %arg6[%swap3A_614, %swap3A_615, %swap3A_616] {strides = array<i32>} : memref<4x128x128xf32, #tpu.memory_space<vmem>>, vector<1x1x16xf32>,
      %swap3A_618 = vector.shape_cast %swap3A_617 : vector<1x1x16xf32> to vector<16xf32>
      %swap3A_619 = vector.shape_cast %convert_element_type3A_610 : vector<16xf32> to vector<1x1x16xf32>
      tpu.vector_store %arg6[%swap3A_614, %swap3A_615, %swap3A_616], %swap3A_619 {strides = array<i32>} : memref<4x128x128xf32, #tpu.memory_space<vmem>>, vector<1x1x16xf32>,
      %add3A_620 = arith.constant 0 : i32
      %add3A_621 = arith.addi %add3A_620, %scan3A_558 : i32
      %get3A_622 = arith.index_cast %add3A_621 : i32 to index
      %get3A_623 = arith.constant 64 : index
      %get3A_624 = tpu.vector_load %arg5[%get3A_622, %get3A_623] {strides = array<i32>} : memref<128x128xi32, #tpu.memory_space<vmem>>, vector<1x16xi32>,
      %get3A_625 = vector.shape_cast %get3A_624 : vector<1x16xi32> to vector<16xi32>
      %convert_element_type3A_626 = arith.sitofp %get3A_625 : vector<16xi32> to vector<16xf32>
      %add3A_627 = arith.constant 0 : i32
      %add3A_628 = arith.addi %add3A_627, %scan3A_558 : i32
      %swap3A_629 = arith.constant 0 : i32
      %swap3A_630 = arith.index_cast %swap3A_629 : i32 to index
      %swap3A_631 = arith.index_cast %add3A_628 : i32 to index
      %swap3A_632 = arith.constant 64 : index
      %swap3A_633 = tpu.vector_load %arg6[%swap3A_630, %swap3A_631, %swap3A_632] {strides = array<i32>} : memref<4x128x128xf32, #tpu.memory_space<vmem>>, vector<1x1x16xf32>,
      %swap3A_634 = vector.shape_cast %swap3A_633 : vector<1x1x16xf32> to vector<16xf32>
      %swap3A_635 = vector.shape_cast %convert_element_type3A_626 : vector<16xf32> to vector<1x1x16xf32>
      tpu.vector_store %arg6[%swap3A_630, %swap3A_631, %swap3A_632], %swap3A_635 {strides = array<i32>} : memref<4x128x128xf32, #tpu.memory_space<vmem>>, vector<1x1x16xf32>,
      %add3A_636 = arith.constant 0 : i32
      %add3A_637 = arith.addi %add3A_636, %scan3A_558 : i32
      %get3A_638 = arith.index_cast %add3A_637 : i32 to index
      %get3A_639 = arith.constant 80 : index
      %get3A_640 = tpu.vector_load %arg5[%get3A_638, %get3A_639] {strides = array<i32>} : memref<128x128xi32, #tpu.memory_space<vmem>>, vector<1x16xi32>,
      %get3A_641 = vector.shape_cast %get3A_640 : vector<1x16xi32> to vector<16xi32>
      %convert_element_type3A_642 = arith.sitofp %get3A_641 : vector<16xi32> to vector<16xf32>
      %add3A_643 = arith.constant 0 : i32
      %add3A_644 = arith.addi %add3A_643, %scan3A_558 : i32
      %swap3A_645 = arith.constant 0 : i32
      %swap3A_646 = arith.index_cast %swap3A_645 : i32 to index
      %swap3A_647 = arith.index_cast %add3A_644 : i32 to index
      %swap3A_648 = arith.constant 80 : index
      %swap3A_649 = tpu.vector_load %arg6[%swap3A_646, %swap3A_647, %swap3A_648] {strides = array<i32>} : memref<4x128x128xf32, #tpu.memory_space<vmem>>, vector<1x1x16xf32>,
      %swap3A_650 = vector.shape_cast %swap3A_649 : vector<1x1x16xf32> to vector<16xf32>
      %swap3A_651 = vector.shape_cast %convert_element_type3A_642 : vector<16xf32> to vector<1x1x16xf32>
      tpu.vector_store %arg6[%swap3A_646, %swap3A_647, %swap3A_648], %swap3A_651 {strides = array<i32>} : memref<4x128x128xf32, #tpu.memory_space<vmem>>, vector<1x1x16xf32>,
      %add3A_652 = arith.constant 0 : i32
      %add3A_653 = arith.addi %add3A_652, %scan3A_558 : i32
      %get3A_654 = arith.index_cast %add3A_653 : i32 to index
      %get3A_655 = arith.constant 96 : index
      %get3A_656 = tpu.vector_load %arg5[%get3A_654, %get3A_655] {strides = array<i32>} : memref<128x128xi32, #tpu.memory_space<vmem>>, vector<1x16xi32>,
      %get3A_657 = vector.shape_cast %get3A_656 : vector<1x16xi32> to vector<16xi32>
      %convert_element_type3A_658 = arith.sitofp %get3A_657 : vector<16xi32> to vector<16xf32>
      %add3A_659 = arith.constant 0 : i32
      %add3A_660 = arith.addi %add3A_659, %scan3A_558 : i32
      %swap3A_661 = arith.constant 0 : i32
      %swap3A_662 = arith.index_cast %swap3A_661 : i32 to index
      %swap3A_663 = arith.index_cast %add3A_660 : i32 to index
      %swap3A_664 = arith.constant 96 : index
      %swap3A_665 = tpu.vector_load %arg6[%swap3A_662, %swap3A_663, %swap3A_664] {strides = array<i32>} : memref<4x128x128xf32, #tpu.memory_space<vmem>>, vector<1x1x16xf32>,
      %swap3A_666 = vector.shape_cast %swap3A_665 : vector<1x1x16xf32> to vector<16xf32>
      %swap3A_667 = vector.shape_cast %convert_element_type3A_658 : vector<16xf32> to vector<1x1x16xf32>
      tpu.vector_store %arg6[%swap3A_662, %swap3A_663, %swap3A_664], %swap3A_667 {strides = array<i32>} : memref<4x128x128xf32, #tpu.memory_space<vmem>>, vector<1x1x16xf32>,
      %add3A_668 = arith.constant 0 : i32
      %add3A_669 = arith.addi %add3A_668, %scan3A_558 : i32
      %get3A_670 = arith.index_cast %add3A_669 : i32 to index
      %get3A_671 = arith.constant 112 : index
      %get3A_672 = tpu.vector_load %arg5[%get3A_670, %get3A_671] {strides = array<i32>} : memref<128x128xi32, #tpu.memory_space<vmem>>, vector<1x16xi32>,
      %get3A_673 = vector.shape_cast %get3A_672 : vector<1x16xi32> to vector<16xi32>
      %convert_element_type3A_674 = arith.sitofp %get3A_673 : vector<16xi32> to vector<16xf32>
      %add3A_675 = arith.constant 0 : i32
      %add3A_676 = arith.addi %add3A_675, %scan3A_558 : i32
      %swap3A_677 = arith.constant 0 : i32
      %swap3A_678 = arith.index_cast %swap3A_677 : i32 to index
      %swap3A_679 = arith.index_cast %add3A_676 : i32 to index
      %swap3A_680 = arith.constant 112 : index
      %swap3A_681 = tpu.vector_load %arg6[%swap3A_678, %swap3A_679, %swap3A_680] {strides = array<i32>} : memref<4x128x128xf32, #tpu.memory_space<vmem>>, vector<1x1x16xf32>,
      %swap3A_682 = vector.shape_cast %swap3A_681 : vector<1x1x16xf32> to vector<16xf32>
      %swap3A_683 = vector.shape_cast %convert_element_type3A_674 : vector<16xf32> to vector<1x1x16xf32>
      tpu.vector_store %arg6[%swap3A_678, %swap3A_679, %swap3A_680], %swap3A_683 {strides = array<i32>} : memref<4x128x128xf32, #tpu.memory_space<vmem>>, vector<1x1x16xf32>,
    }
    %scan3A_5 = arith.constant 64 : i32
    %mul3A_6 = arith.constant 4 : i32
    %mul3A_7 = arith.muli %add3A, %mul3A_6 : i32
    %add3A_8 = arith.constant 0 : i32
    %add3A_9 = arith.addi %mul3A_7, %add3A_8 : i32
    %dma_start3A = arith.constant 0 : i32
    %dma_start3A_10 = arith.constant 0 : i32
    %dma_start3A_11 = arith.constant 0 : i32
    %dma_start3A_12 = tpu.memref_slice %arg6[%dma_start3A, %dma_start3A_10, %dma_start3A_11] : memref<4x128x128xf32, #tpu.memory_space<vmem>> -> memref<1x64x128xf32, #tpu.memory_space<vmem>>
    %dma_start3A_13 = tpu.memref_squeeze %dma_start3A_12 : memref<1x64x128xf32, #tpu.memory_space<vmem>> -> memref<64x128xf32, #tpu.memory_space<vmem>>
    %dma_start3A_14 = arith.constant 0 : i32
    %dma_start3A_15 = tpu.memref_slice %arg5[%add3A_9, %dma_start3A_14] : memref<128x128xi32, #tpu.memory_space<vmem>> -> memref<1x64xi32, #tpu.memory_space<vmem>>
    %dma_start3A_16 = tpu.memref_squeeze %dma_start3A_15 : memref<1x64xi32, #tpu.memory_space<vmem>> -> memref<64xi32, #tpu.memory_space<vmem>>
    %dma_start3A_17 = arith.constant 0 : i32
    %dma_start3A_18 = arith.constant 0 : i32
    %dma_start3A_19 = tpu.memref_slice %arg3[%dma_start3A_17, %dma_start3A_18] : memref<1000000x128xf32, #tpu.memory_space<hbm>> -> memref<1000000x128xf32, #tpu.memory_space<hbm>>
    tpu.enqueue_indirect_dma source(%dma_start3A_19 : memref<1000000x128xf32, #tpu.memory_space<hbm>>) target(%dma_start3A_13 : memref<64x128xf32, #tpu.memory_space<vmem>>) offsets(%dma_start3A_16 : memref<64xi32, #tpu.memory_space<vmem>>) semaphore(%arg7 : memref<!tpu.dma_semaphore, #tpu.memory_space<semaphore_mem>>) {add = true}
    %scan3A_20 = arith.constant 0 : i32
    %scan3A_21 = arith.constant 0 : i32
    %scan3A_22 = arith.constant 64 : i32
    %scan3A_23 = arith.addi %scan3A_21, %scan3A_22 : i32
    %scan3A_24 = arith.constant 1 : i32
    scf.for %scan3A_558 = %scan3A_21 to %scan3A_23 step %scan3A_24  : i32 {
      %add3A_559 = arith.constant 64 : i32
      %add3A_560 = arith.addi %add3A_559, %scan3A_558 : i32
      %get3A = arith.index_cast %add3A_560 : i32 to index
      %get3A_561 = arith.constant 0 : index
      %get3A_562 = tpu.vector_load %arg5[%get3A, %get3A_561] {strides = array<i32>} : memref<128x128xi32, #tpu.memory_space<vmem>>, vector<1x16xi32>,
      %get3A_563 = vector.shape_cast %get3A_562 : vector<1x16xi32> to vector<16xi32>
      %convert_element_type3A = arith.sitofp %get3A_563 : vector<16xi32> to vector<16xf32>
      %add3A_564 = arith.constant 64 : i32
      %add3A_565 = arith.addi %add3A_564, %scan3A_558 : i32
      %swap3A = arith.constant 0 : i32
      %swap3A_566 = arith.index_cast %swap3A : i32 to index
      %swap3A_567 = arith.index_cast %add3A_565 : i32 to index
      %swap3A_568 = arith.constant 0 : index
      %swap3A_569 = tpu.vector_load %arg6[%swap3A_566, %swap3A_567, %swap3A_568] {strides = array<i32>} : memref<4x128x128xf32, #tpu.memory_space<vmem>>, vector<1x1x16xf32>,
      %swap3A_570 = vector.shape_cast %swap3A_569 : vector<1x1x16xf32> to vector<16xf32>
      %swap3A_571 = vector.shape_cast %convert_element_type3A : vector<16xf32> to vector<1x1x16xf32>
      tpu.vector_store %arg6[%swap3A_566, %swap3A_567, %swap3A_568], %swap3A_571 {strides = array<i32>} : memref<4x128x128xf32, #tpu.memory_space<vmem>>, vector<1x1x16xf32>,
      %add3A_572 = arith.constant 64 : i32
      %add3A_573 = arith.addi %add3A_572, %scan3A_558 : i32
      %get3A_574 = arith.index_cast %add3A_573 : i32 to index
      %get3A_575 = arith.constant 16 : index
      %get3A_576 = tpu.vector_load %arg5[%get3A_574, %get3A_575] {strides = array<i32>} : memref<128x128xi32, #tpu.memory_space<vmem>>, vector<1x16xi32>,
      %get3A_577 = vector.shape_cast %get3A_576 : vector<1x16xi32> to vector<16xi32>
      %convert_element_type3A_578 = arith.sitofp %get3A_577 : vector<16xi32> to vector<16xf32>
      %add3A_579 = arith.constant 64 : i32
      %add3A_580 = arith.addi %add3A_579, %scan3A_558 : i32
      %swap3A_581 = arith.constant 0 : i32
      %swap3A_582 = arith.index_cast %swap3A_581 : i32 to index
      %swap3A_583 = arith.index_cast %add3A_580 : i32 to index
      %swap3A_584 = arith.constant 16 : index
      %swap3A_585 = tpu.vector_load %arg6[%swap3A_582, %swap3A_583, %swap3A_584] {strides = array<i32>} : memref<4x128x128xf32, #tpu.memory_space<vmem>>, vector<1x1x16xf32>,
      %swap3A_586 = vector.shape_cast %swap3A_585 : vector<1x1x16xf32> to vector<16xf32>
      %swap3A_587 = vector.shape_cast %convert_element_type3A_578 : vector<16xf32> to vector<1x1x16xf32>
      tpu.vector_store %arg6[%swap3A_582, %swap3A_583, %swap3A_584], %swap3A_587 {strides = array<i32>} : memref<4x128x128xf32, #tpu.memory_space<vmem>>, vector<1x1x16xf32>,
      %add3A_588 = arith.constant 64 : i32
      %add3A_589 = arith.addi %add3A_588, %scan3A_558 : i32
      %get3A_590 = arith.index_cast %add3A_589 : i32 to index
      %get3A_591 = arith.constant 32 : index
      %get3A_592 = tpu.vector_load %arg5[%get3A_590, %get3A_591] {strides = array<i32>} : memref<128x128xi32, #tpu.memory_space<vmem>>, vector<1x16xi32>,
      %get3A_593 = vector.shape_cast %get3A_592 : vector<1x16xi32> to vector<16xi32>
      %convert_element_type3A_594 = arith.sitofp %get3A_593 : vector<16xi32> to vector<16xf32>
      %add3A_595 = arith.constant 64 : i32
      %add3A_596 = arith.addi %add3A_595, %scan3A_558 : i32
      %swap3A_597 = arith.constant 0 : i32
      %swap3A_598 = arith.index_cast %swap3A_597 : i32 to index
      %swap3A_599 = arith.index_cast %add3A_596 : i32 to index
      %swap3A_600 = arith.constant 32 : index
      %swap3A_601 = tpu.vector_load %arg6[%swap3A_598, %swap3A_599, %swap3A_600] {strides = array<i32>} : memref<4x128x128xf32, #tpu.memory_space<vmem>>, vector<1x1x16xf32>,
      %swap3A_602 = vector.shape_cast %swap3A_601 : vector<1x1x16xf32> to vector<16xf32>
      %swap3A_603 = vector.shape_cast %convert_element_type3A_594 : vector<16xf32> to vector<1x1x16xf32>
      tpu.vector_store %arg6[%swap3A_598, %swap3A_599, %swap3A_600], %swap3A_603 {strides = array<i32>} : memref<4x128x128xf32, #tpu.memory_space<vmem>>, vector<1x1x16xf32>,
      %add3A_604 = arith.constant 64 : i32
      %add3A_605 = arith.addi %add3A_604, %scan3A_558 : i32
      %get3A_606 = arith.index_cast %add3A_605 : i32 to index
      %get3A_607 = arith.constant 48 : index
      %get3A_608 = tpu.vector_load %arg5[%get3A_606, %get3A_607] {strides = array<i32>} : memref<128x128xi32, #tpu.memory_space<vmem>>, vector<1x16xi32>,
      %get3A_609 = vector.shape_cast %get3A_608 : vector<1x16xi32> to vector<16xi32>
      %convert_element_type3A_610 = arith.sitofp %get3A_609 : vector<16xi32> to vector<16xf32>
      %add3A_611 = arith.constant 64 : i32
      %add3A_612 = arith.addi %add3A_611, %scan3A_558 : i32
      %swap3A_613 = arith.constant 0 : i32
      %swap3A_614 = arith.index_cast %swap3A_613 : i32 to index
      %swap3A_615 = arith.index_cast %add3A_612 : i32 to index
      %swap3A_616 = arith.constant 48 : index
      %swap3A_617 = tpu.vector_load %arg6[%swap3A_614, %swap3A_615, %swap3A_616] {strides = array<i32>} : memref<4x128x128xf32, #tpu.memory_space<vmem>>, vector<1x1x16xf32>,
      %swap3A_618 = vector.shape_cast %swap3A_617 : vector<1x1x16xf32> to vector<16xf32>
      %swap3A_619 = vector.shape_cast %convert_element_type3A_610 : vector<16xf32> to vector<1x1x16xf32>
      tpu.vector_store %arg6[%swap3A_614, %swap3A_615, %swap3A_616], %swap3A_619 {strides = array<i32>} : memref<4x128x128xf32, #tpu.memory_space<vmem>>, vector<1x1x16xf32>,
      %add3A_620 = arith.constant 64 : i32
      %add3A_621 = arith.addi %add3A_620, %scan3A_558 : i32
      %get3A_622 = arith.index_cast %add3A_621 : i32 to index
      %get3A_623 = arith.constant 64 : index
      %get3A_624 = tpu.vector_load %arg5[%get3A_622, %get3A_623] {strides = array<i32>} : memref<128x128xi32, #tpu.memory_space<vmem>>, vector<1x16xi32>,
      %get3A_625 = vector.shape_cast %get3A_624 : vector<1x16xi32> to vector<16xi32>
      %convert_element_type3A_626 = arith.sitofp %get3A_625 : vector<16xi32> to vector<16xf32>
      %add3A_627 = arith.constant 64 : i32
      %add3A_628 = arith.addi %add3A_627, %scan3A_558 : i32
      %swap3A_629 = arith.constant 0 : i32
      %swap3A_630 = arith.index_cast %swap3A_629 : i32 to index
      %swap3A_631 = arith.index_cast %add3A_628 : i32 to index
      %swap3A_632 = arith.constant 64 : index
      %swap3A_633 = tpu.vector_load %arg6[%swap3A_630, %swap3A_631, %swap3A_632] {strides = array<i32>} : memref<4x128x128xf32, #tpu.memory_space<vmem>>, vector<1x1x16xf32>,
      %swap3A_634 = vector.shape_cast %swap3A_633 : vector<1x1x16xf32> to vector<16xf32>
      %swap3A_635 = vector.shape_cast %convert_element_type3A_626 : vector<16xf32> to vector<1x1x16xf32>
      tpu.vector_store %arg6[%swap3A_630, %swap3A_631, %swap3A_632], %swap3A_635 {strides = array<i32>} : memref<4x128x128xf32, #tpu.memory_space<vmem>>, vector<1x1x16xf32>,
      %add3A_636 = arith.constant 64 : i32
      %add3A_637 = arith.addi %add3A_636, %scan3A_558 : i32
      %get3A_638 = arith.index_cast %add3A_637 : i32 to index
      %get3A_639 = arith.constant 80 : index
      %get3A_640 = tpu.vector_load %arg5[%get3A_638, %get3A_639] {strides = array<i32>} : memref<128x128xi32, #tpu.memory_space<vmem>>, vector<1x16xi32>,
      %get3A_641 = vector.shape_cast %get3A_640 : vector<1x16xi32> to vector<16xi32>
      %convert_element_type3A_642 = arith.sitofp %get3A_641 : vector<16xi32> to vector<16xf32>
      %add3A_643 = arith.constant 64 : i32
      %add3A_644 = arith.addi %add3A_643, %scan3A_558 : i32
      %swap3A_645 = arith.constant 0 : i32
      %swap3A_646 = arith.index_cast %swap3A_645 : i32 to index
      %swap3A_647 = arith.index_cast %add3A_644 : i32 to index
      %swap3A_648 = arith.constant 80 : index
      %swap3A_649 = tpu.vector_load %arg6[%swap3A_646, %swap3A_647, %swap3A_648] {strides = array<i32>} : memref<4x128x128xf32, #tpu.memory_space<vmem>>, vector<1x1x16xf32>,
      %swap3A_650 = vector.shape_cast %swap3A_649 : vector<1x1x16xf32> to vector<16xf32>
      %swap3A_651 = vector.shape_cast %convert_element_type3A_642 : vector<16xf32> to vector<1x1x16xf32>
      tpu.vector_store %arg6[%swap3A_646, %swap3A_647, %swap3A_648], %swap3A_651 {strides = array<i32>} : memref<4x128x128xf32, #tpu.memory_space<vmem>>, vector<1x1x16xf32>,
      %add3A_652 = arith.constant 64 : i32
      %add3A_653 = arith.addi %add3A_652, %scan3A_558 : i32
      %get3A_654 = arith.index_cast %add3A_653 : i32 to index
      %get3A_655 = arith.constant 96 : index
      %get3A_656 = tpu.vector_load %arg5[%get3A_654, %get3A_655] {strides = array<i32>} : memref<128x128xi32, #tpu.memory_space<vmem>>, vector<1x16xi32>,
      %get3A_657 = vector.shape_cast %get3A_656 : vector<1x16xi32> to vector<16xi32>
      %convert_element_type3A_658 = arith.sitofp %get3A_657 : vector<16xi32> to vector<16xf32>
      %add3A_659 = arith.constant 64 : i32
      %add3A_660 = arith.addi %add3A_659, %scan3A_558 : i32
      %swap3A_661 = arith.constant 0 : i32
      %swap3A_662 = arith.index_cast %swap3A_661 : i32 to index
      %swap3A_663 = arith.index_cast %add3A_660 : i32 to index
      %swap3A_664 = arith.constant 96 : index
      %swap3A_665 = tpu.vector_load %arg6[%swap3A_662, %swap3A_663, %swap3A_664] {strides = array<i32>} : memref<4x128x128xf32, #tpu.memory_space<vmem>>, vector<1x1x16xf32>,
      %swap3A_666 = vector.shape_cast %swap3A_665 : vector<1x1x16xf32> to vector<16xf32>
      %swap3A_667 = vector.shape_cast %convert_element_type3A_658 : vector<16xf32> to vector<1x1x16xf32>
      tpu.vector_store %arg6[%swap3A_662, %swap3A_663, %swap3A_664], %swap3A_667 {strides = array<i32>} : memref<4x128x128xf32, #tpu.memory_space<vmem>>, vector<1x1x16xf32>,
      %add3A_668 = arith.constant 64 : i32
      %add3A_669 = arith.addi %add3A_668, %scan3A_558 : i32
      %get3A_670 = arith.index_cast %add3A_669 : i32 to index
      %get3A_671 = arith.constant 112 : index
      %get3A_672 = tpu.vector_load %arg5[%get3A_670, %get3A_671] {strides = array<i32>} : memref<128x128xi32, #tpu.memory_space<vmem>>, vector<1x16xi32>,
      %get3A_673 = vector.shape_cast %get3A_672 : vector<1x16xi32> to vector<16xi32>
      %convert_element_type3A_674 = arith.sitofp %get3A_673 : vector<16xi32> to vector<16xf32>
      %add3A_675 = arith.constant 64 : i32
      %add3A_676 = arith.addi %add3A_675, %scan3A_558 : i32
      %swap3A_677 = arith.constant 0 : i32
      %swap3A_678 = arith.index_cast %swap3A_677 : i32 to index
      %swap3A_679 = arith.index_cast %add3A_676 : i32 to index
      %swap3A_680 = arith.constant 112 : index
      %swap3A_681 = tpu.vector_load %arg6[%swap3A_678, %swap3A_679, %swap3A_680] {strides = array<i32>} : memref<4x128x128xf32, #tpu.memory_space<vmem>>, vector<1x1x16xf32>,
      %swap3A_682 = vector.shape_cast %swap3A_681 : vector<1x1x16xf32> to vector<16xf32>
      %swap3A_683 = vector.shape_cast %convert_element_type3A_674 : vector<16xf32> to vector<1x1x16xf32>
      tpu.vector_store %arg6[%swap3A_678, %swap3A_679, %swap3A_680], %swap3A_683 {strides = array<i32>} : memref<4x128x128xf32, #tpu.memory_space<vmem>>, vector<1x1x16xf32>,
    }
    %scan3A_25 = arith.constant 64 : i32
    %mul3A_26 = arith.constant 4 : i32
    %mul3A_27 = arith.muli %add3A, %mul3A_26 : i32
    %add3A_28 = arith.constant 0 : i32
    %add3A_29 = arith.addi %mul3A_27, %add3A_28 : i32
    %dma_start3A_30 = arith.constant 0 : i32
    %dma_start3A_31 = arith.constant 64 : i32
    %dma_start3A_32 = arith.constant 0 : i32
    %dma_start3A_33 = tpu.memref_slice %arg6[%dma_start3A_30, %dma_start3A_31, %dma_start3A_32] : memref<4x128x128xf32, #tpu.memory_space<vmem>> -> memref<1x64x128xf32, #tpu.memory_space<vmem>>
    %dma_start3A_34 = tpu.memref_squeeze %dma_start3A_33 : memref<1x64x128xf32, #tpu.memory_space<vmem>> -> memref<64x128xf32, #tpu.memory_space<vmem>>
    %dma_start3A_35 = arith.constant 64 : i32
    %dma_start3A_36 = tpu.memref_slice %arg5[%add3A_29, %dma_start3A_35] : memref<128x128xi32, #tpu.memory_space<vmem>> -> memref<1x64xi32, #tpu.memory_space<vmem>>
    %dma_start3A_37 = tpu.memref_squeeze %dma_start3A_36 : memref<1x64xi32, #tpu.memory_space<vmem>> -> memref<64xi32, #tpu.memory_space<vmem>>
    %dma_start3A_38 = arith.constant 0 : i32
    %dma_start3A_39 = arith.constant 0 : i32
    %dma_start3A_40 = tpu.memref_slice %arg3[%dma_start3A_38, %dma_start3A_39] : memref<1000000x128xf32, #tpu.memory_space<hbm>> -> memref<1000000x128xf32, #tpu.memory_space<hbm>>
    tpu.enqueue_indirect_dma source(%dma_start3A_40 : memref<1000000x128xf32, #tpu.memory_space<hbm>>) target(%dma_start3A_34 : memref<64x128xf32, #tpu.memory_space<vmem>>) offsets(%dma_start3A_37 : memref<64xi32, #tpu.memory_space<vmem>>) semaphore(%arg8 : memref<!tpu.dma_semaphore, #tpu.memory_space<semaphore_mem>>) {add = true}
    %scan3A_41 = arith.constant 0 : i32
    %scan3A_42 = arith.constant 0 : i32
    %scan3A_43 = arith.constant 64 : i32
    %scan3A_44 = arith.addi %scan3A_42, %scan3A_43 : i32
    %scan3A_45 = arith.constant 1 : i32
    scf.for %scan3A_558 = %scan3A_42 to %scan3A_44 step %scan3A_45  : i32 {
      %add3A_559 = arith.constant 0 : i32
      %add3A_560 = arith.addi %add3A_559, %scan3A_558 : i32
      %get3A = arith.index_cast %add3A_560 : i32 to index
      %get3A_561 = arith.constant 0 : index
      %get3A_562 = tpu.vector_load %arg5[%get3A, %get3A_561] {strides = array<i32>} : memref<128x128xi32, #tpu.memory_space<vmem>>, vector<1x16xi32>,
      %get3A_563 = vector.shape_cast %get3A_562 : vector<1x16xi32> to vector<16xi32>
      %convert_element_type3A = arith.sitofp %get3A_563 : vector<16xi32> to vector<16xf32>
      %add3A_564 = arith.constant 0 : i32
      %add3A_565 = arith.addi %add3A_564, %scan3A_558 : i32
      %swap3A = arith.constant 1 : i32
      %swap3A_566 = arith.index_cast %swap3A : i32 to index
      %swap3A_567 = arith.index_cast %add3A_565 : i32 to index
      %swap3A_568 = arith.constant 0 : index
      %swap3A_569 = tpu.vector_load %arg6[%swap3A_566, %swap3A_567, %swap3A_568] {strides = array<i32>} : memref<4x128x128xf32, #tpu.memory_space<vmem>>, vector<1x1x16xf32>,
      %swap3A_570 = vector.shape_cast %swap3A_569 : vector<1x1x16xf32> to vector<16xf32>
      %swap3A_571 = vector.shape_cast %convert_element_type3A : vector<16xf32> to vector<1x1x16xf32>
      tpu.vector_store %arg6[%swap3A_566, %swap3A_567, %swap3A_568], %swap3A_571 {strides = array<i32>} : memref<4x128x128xf32, #tpu.memory_space<vmem>>, vector<1x1x16xf32>,
      %add3A_572 = arith.constant 0 : i32
      %add3A_573 = arith.addi %add3A_572, %scan3A_558 : i32
      %get3A_574 = arith.index_cast %add3A_573 : i32 to index
      %get3A_575 = arith.constant 16 : index
      %get3A_576 = tpu.vector_load %arg5[%get3A_574, %get3A_575] {strides = array<i32>} : memref<128x128xi32, #tpu.memory_space<vmem>>, vector<1x16xi32>,
      %get3A_577 = vector.shape_cast %get3A_576 : vector<1x16xi32> to vector<16xi32>
      %convert_element_type3A_578 = arith.sitofp %get3A_577 : vector<16xi32> to vector<16xf32>
      %add3A_579 = arith.constant 0 : i32
      %add3A_580 = arith.addi %add3A_579, %scan3A_558 : i32
      %swap3A_581 = arith.constant 1 : i32
      %swap3A_582 = arith.index_cast %swap3A_581 : i32 to index
      %swap3A_583 = arith.index_cast %add3A_580 : i32 to index
      %swap3A_584 = arith.constant 16 : index
      %swap3A_585 = tpu.vector_load %arg6[%swap3A_582, %swap3A_583, %swap3A_584] {strides = array<i32>} : memref<4x128x128xf32, #tpu.memory_space<vmem>>, vector<1x1x16xf32>,
      %swap3A_586 = vector.shape_cast %swap3A_585 : vector<1x1x16xf32> to vector<16xf32>
      %swap3A_587 = vector.shape_cast %convert_element_type3A_578 : vector<16xf32> to vector<1x1x16xf32>
      tpu.vector_store %arg6[%swap3A_582, %swap3A_583, %swap3A_584], %swap3A_587 {strides = array<i32>} : memref<4x128x128xf32, #tpu.memory_space<vmem>>, vector<1x1x16xf32>,
      %add3A_588 = arith.constant 0 : i32
      %add3A_589 = arith.addi %add3A_588, %scan3A_558 : i32
      %get3A_590 = arith.index_cast %add3A_589 : i32 to index
      %get3A_591 = arith.constant 32 : index
      %get3A_592 = tpu.vector_load %arg5[%get3A_590, %get3A_591] {strides = array<i32>} : memref<128x128xi32, #tpu.memory_space<vmem>>, vector<1x16xi32>,
      %get3A_593 = vector.shape_cast %get3A_592 : vector<1x16xi32> to vector<16xi32>
      %convert_element_type3A_594 = arith.sitofp %get3A_593 : vector<16xi32> to vector<16xf32>
      %add3A_595 = arith.constant 0 : i32
      %add3A_596 = arith.addi %add3A_595, %scan3A_558 : i32
      %swap3A_597 = arith.constant 1 : i32
      %swap3A_598 = arith.index_cast %swap3A_597 : i32 to index
      %swap3A_599 = arith.index_cast %add3A_596 : i32 to index
      %swap3A_600 = arith.constant 32 : index
      %swap3A_601 = tpu.vector_load %arg6[%swap3A_598, %swap3A_599, %swap3A_600] {strides = array<i32>} : memref<4x128x128xf32, #tpu.memory_space<vmem>>, vector<1x1x16xf32>,
      %swap3A_602 = vector.shape_cast %swap3A_601 : vector<1x1x16xf32> to vector<16xf32>
      %swap3A_603 = vector.shape_cast %convert_element_type3A_594 : vector<16xf32> to vector<1x1x16xf32>
      tpu.vector_store %arg6[%swap3A_598, %swap3A_599, %swap3A_600], %swap3A_603 {strides = array<i32>} : memref<4x128x128xf32, #tpu.memory_space<vmem>>, vector<1x1x16xf32>,
      %add3A_604 = arith.constant 0 : i32
      %add3A_605 = arith.addi %add3A_604, %scan3A_558 : i32
      %get3A_606 = arith.index_cast %add3A_605 : i32 to index
      %get3A_607 = arith.constant 48 : index
      %get3A_608 = tpu.vector_load %arg5[%get3A_606, %get3A_607] {strides = array<i32>} : memref<128x128xi32, #tpu.memory_space<vmem>>, vector<1x16xi32>,
      %get3A_609 = vector.shape_cast %get3A_608 : vector<1x16xi32> to vector<16xi32>
      %convert_element_type3A_610 = arith.sitofp %get3A_609 : vector<16xi32> to vector<16xf32>
      %add3A_611 = arith.constant 0 : i32
      %add3A_612 = arith.addi %add3A_611, %scan3A_558 : i32
      %swap3A_613 = arith.constant 1 : i32
      %swap3A_614 = arith.index_cast %swap3A_613 : i32 to index
      %swap3A_615 = arith.index_cast %add3A_612 : i32 to index
      %swap3A_616 = arith.constant 48 : index
      %swap3A_617 = tpu.vector_load %arg6[%swap3A_614, %swap3A_615, %swap3A_616] {strides = array<i32>} : memref<4x128x128xf32, #tpu.memory_space<vmem>>, vector<1x1x16xf32>,
      %swap3A_618 = vector.shape_cast %swap3A_617 : vector<1x1x16xf32> to vector<16xf32>
      %swap3A_619 = vector.shape_cast %convert_element_type3A_610 : vector<16xf32> to vector<1x1x16xf32>
      tpu.vector_store %arg6[%swap3A_614, %swap3A_615, %swap3A_616], %swap3A_619 {strides = array<i32>} : memref<4x128x128xf32, #tpu.memory_space<vmem>>, vector<1x1x16xf32>,
      %add3A_620 = arith.constant 0 : i32
      %add3A_621 = arith.addi %add3A_620, %scan3A_558 : i32
      %get3A_622 = arith.index_cast %add3A_621 : i32 to index
      %get3A_623 = arith.constant 64 : index
      %get3A_624 = tpu.vector_load %arg5[%get3A_622, %get3A_623] {strides = array<i32>} : memref<128x128xi32, #tpu.memory_space<vmem>>, vector<1x16xi32>,
      %get3A_625 = vector.shape_cast %get3A_624 : vector<1x16xi32> to vector<16xi32>
      %convert_element_type3A_626 = arith.sitofp %get3A_625 : vector<16xi32> to vector<16xf32>
      %add3A_627 = arith.constant 0 : i32
      %add3A_628 = arith.addi %add3A_627, %scan3A_558 : i32
      %swap3A_629 = arith.constant 1 : i32
      %swap3A_630 = arith.index_cast %swap3A_629 : i32 to index
      %swap3A_631 = arith.index_cast %add3A_628 : i32 to index
      %swap3A_632 = arith.constant 64 : index
      %swap3A_633 = tpu.vector_load %arg6[%swap3A_630, %swap3A_631, %swap3A_632] {strides = array<i32>} : memref<4x128x128xf32, #tpu.memory_space<vmem>>, vector<1x1x16xf32>,
      %swap3A_634 = vector.shape_cast %swap3A_633 : vector<1x1x16xf32> to vector<16xf32>
      %swap3A_635 = vector.shape_cast %convert_element_type3A_626 : vector<16xf32> to vector<1x1x16xf32>
      tpu.vector_store %arg6[%swap3A_630, %swap3A_631, %swap3A_632], %swap3A_635 {strides = array<i32>} : memref<4x128x128xf32, #tpu.memory_space<vmem>>, vector<1x1x16xf32>,
      %add3A_636 = arith.constant 0 : i32
      %add3A_637 = arith.addi %add3A_636, %scan3A_558 : i32
      %get3A_638 = arith.index_cast %add3A_637 : i32 to index
      %get3A_639 = arith.constant 80 : index
      %get3A_640 = tpu.vector_load %arg5[%get3A_638, %get3A_639] {strides = array<i32>} : memref<128x128xi32, #tpu.memory_space<vmem>>, vector<1x16xi32>,
      %get3A_641 = vector.shape_cast %get3A_640 : vector<1x16xi32> to vector<16xi32>
      %convert_element_type3A_642 = arith.sitofp %get3A_641 : vector<16xi32> to vector<16xf32>
      %add3A_643 = arith.constant 0 : i32
      %add3A_644 = arith.addi %add3A_643, %scan3A_558 : i32
      %swap3A_645 = arith.constant 1 : i32
      %swap3A_646 = arith.index_cast %swap3A_645 : i32 to index
      %swap3A_647 = arith.index_cast %add3A_644 : i32 to index
      %swap3A_648 = arith.constant 80 : index
      %swap3A_649 = tpu.vector_load %arg6[%swap3A_646, %swap3A_647, %swap3A_648] {strides = array<i32>} : memref<4x128x128xf32, #tpu.memory_space<vmem>>, vector<1x1x16xf32>,
      %swap3A_650 = vector.shape_cast %swap3A_649 : vector<1x1x16xf32> to vector<16xf32>
      %swap3A_651 = vector.shape_cast %convert_element_type3A_642 : vector<16xf32> to vector<1x1x16xf32>
      tpu.vector_store %arg6[%swap3A_646, %swap3A_647, %swap3A_648], %swap3A_651 {strides = array<i32>} : memref<4x128x128xf32, #tpu.memory_space<vmem>>, vector<1x1x16xf32>,
      %add3A_652 = arith.constant 0 : i32
      %add3A_653 = arith.addi %add3A_652, %scan3A_558 : i32
      %get3A_654 = arith.index_cast %add3A_653 : i32 to index
      %get3A_655 = arith.constant 96 : index
      %get3A_656 = tpu.vector_load %arg5[%get3A_654, %get3A_655] {strides = array<i32>} : memref<128x128xi32, #tpu.memory_space<vmem>>, vector<1x16xi32>,
      %get3A_657 = vector.shape_cast %get3A_656 : vector<1x16xi32> to vector<16xi32>
      %convert_element_type3A_658 = arith.sitofp %get3A_657 : vector<16xi32> to vector<16xf32>
      %add3A_659 = arith.constant 0 : i32
      %add3A_660 = arith.addi %add3A_659, %scan3A_558 : i32
      %swap3A_661 = arith.constant 1 : i32
      %swap3A_662 = arith.index_cast %swap3A_661 : i32 to index
      %swap3A_663 = arith.index_cast %add3A_660 : i32 to index
      %swap3A_664 = arith.constant 96 : index
      %swap3A_665 = tpu.vector_load %arg6[%swap3A_662, %swap3A_663, %swap3A_664] {strides = array<i32>} : memref<4x128x128xf32, #tpu.memory_space<vmem>>, vector<1x1x16xf32>,
      %swap3A_666 = vector.shape_cast %swap3A_665 : vector<1x1x16xf32> to vector<16xf32>
      %swap3A_667 = vector.shape_cast %convert_element_type3A_658 : vector<16xf32> to vector<1x1x16xf32>
      tpu.vector_store %arg6[%swap3A_662, %swap3A_663, %swap3A_664], %swap3A_667 {strides = array<i32>} : memref<4x128x128xf32, #tpu.memory_space<vmem>>, vector<1x1x16xf32>,
      %add3A_668 = arith.constant 0 : i32
      %add3A_669 = arith.addi %add3A_668, %scan3A_558 : i32
      %get3A_670 = arith.index_cast %add3A_669 : i32 to index
      %get3A_671 = arith.constant 112 : index
      %get3A_672 = tpu.vector_load %arg5[%get3A_670, %get3A_671] {strides = array<i32>} : memref<128x128xi32, #tpu.memory_space<vmem>>, vector<1x16xi32>,
      %get3A_673 = vector.shape_cast %get3A_672 : vector<1x16xi32> to vector<16xi32>
      %convert_element_type3A_674 = arith.sitofp %get3A_673 : vector<16xi32> to vector<16xf32>
      %add3A_675 = arith.constant 0 : i32
      %add3A_676 = arith.addi %add3A_675, %scan3A_558 : i32
      %swap3A_677 = arith.constant 1 : i32
      %swap3A_678 = arith.index_cast %swap3A_677 : i32 to index
      %swap3A_679 = arith.index_cast %add3A_676 : i32 to index
      %swap3A_680 = arith.constant 112 : index
      %swap3A_681 = tpu.vector_load %arg6[%swap3A_678, %swap3A_679, %swap3A_680] {strides = array<i32>} : memref<4x128x128xf32, #tpu.memory_space<vmem>>, vector<1x1x16xf32>,
      %swap3A_682 = vector.shape_cast %swap3A_681 : vector<1x1x16xf32> to vector<16xf32>
      %swap3A_683 = vector.shape_cast %convert_element_type3A_674 : vector<16xf32> to vector<1x1x16xf32>
      tpu.vector_store %arg6[%swap3A_678, %swap3A_679, %swap3A_680], %swap3A_683 {strides = array<i32>} : memref<4x128x128xf32, #tpu.memory_space<vmem>>, vector<1x1x16xf32>,
    }
    %scan3A_46 = arith.constant 64 : i32
    %mul3A_47 = arith.constant 4 : i32
    %mul3A_48 = arith.muli %add3A, %mul3A_47 : i32
    %add3A_49 = arith.constant 1 : i32
    %add3A_50 = arith.addi %mul3A_48, %add3A_49 : i32
    %dma_start3A_51 = arith.constant 1 : i32
    %dma_start3A_52 = arith.constant 0 : i32
    %dma_start3A_53 = arith.constant 0 : i32
    %dma_start3A_54 = tpu.memref_slice %arg6[%dma_start3A_51, %dma_start3A_52, %dma_start3A_53] : memref<4x128x128xf32, #tpu.memory_space<vmem>> -> memref<1x64x128xf32, #tpu.memory_space<vmem>>
    %dma_start3A_55 = tpu.memref_squeeze %dma_start3A_54 : memref<1x64x128xf32, #tpu.memory_space<vmem>> -> memref<64x128xf32, #tpu.memory_space<vmem>>
    %dma_start3A_56 = arith.constant 0 : i32
    %dma_start3A_57 = tpu.memref_slice %arg5[%add3A_50, %dma_start3A_56] : memref<128x128xi32, #tpu.memory_space<vmem>> -> memref<1x64xi32, #tpu.memory_space<vmem>>
    %dma_start3A_58 = tpu.memref_squeeze %dma_start3A_57 : memref<1x64xi32, #tpu.memory_space<vmem>> -> memref<64xi32, #tpu.memory_space<vmem>>
    %dma_start3A_59 = arith.constant 0 : i32
    %dma_start3A_60 = arith.constant 0 : i32
    %dma_start3A_61 = tpu.memref_slice %arg3[%dma_start3A_59, %dma_start3A_60] : memref<1000000x128xf32, #tpu.memory_space<hbm>> -> memref<1000000x128xf32, #tpu.memory_space<hbm>>
    tpu.enqueue_indirect_dma source(%dma_start3A_61 : memref<1000000x128xf32, #tpu.memory_space<hbm>>) target(%dma_start3A_55 : memref<64x128xf32, #tpu.memory_space<vmem>>) offsets(%dma_start3A_58 : memref<64xi32, #tpu.memory_space<vmem>>) semaphore(%arg9 : memref<!tpu.dma_semaphore, #tpu.memory_space<semaphore_mem>>) {add = true}
    %scan3A_62 = arith.constant 0 : i32
    %scan3A_63 = arith.constant 0 : i32
    %scan3A_64 = arith.constant 64 : i32
    %scan3A_65 = arith.addi %scan3A_63, %scan3A_64 : i32
    %scan3A_66 = arith.constant 1 : i32
    scf.for %scan3A_558 = %scan3A_63 to %scan3A_65 step %scan3A_66  : i32 {
      %add3A_559 = arith.constant 64 : i32
      %add3A_560 = arith.addi %add3A_559, %scan3A_558 : i32
      %get3A = arith.index_cast %add3A_560 : i32 to index
      %get3A_561 = arith.constant 0 : index
      %get3A_562 = tpu.vector_load %arg5[%get3A, %get3A_561] {strides = array<i32>} : memref<128x128xi32, #tpu.memory_space<vmem>>, vector<1x16xi32>,
      %get3A_563 = vector.shape_cast %get3A_562 : vector<1x16xi32> to vector<16xi32>
      %convert_element_type3A = arith.sitofp %get3A_563 : vector<16xi32> to vector<16xf32>
      %add3A_564 = arith.constant 64 : i32
      %add3A_565 = arith.addi %add3A_564, %scan3A_558 : i32
      %swap3A = arith.constant 1 : i32
      %swap3A_566 = arith.index_cast %swap3A : i32 to index
      %swap3A_567 = arith.index_cast %add3A_565 : i32 to index
      %swap3A_568 = arith.constant 0 : index
      %swap3A_569 = tpu.vector_load %arg6[%swap3A_566, %swap3A_567, %swap3A_568] {strides = array<i32>} : memref<4x128x128xf32, #tpu.memory_space<vmem>>, vector<1x1x16xf32>,
      %swap3A_570 = vector.shape_cast %swap3A_569 : vector<1x1x16xf32> to vector<16xf32>
      %swap3A_571 = vector.shape_cast %convert_element_type3A : vector<16xf32> to vector<1x1x16xf32>
      tpu.vector_store %arg6[%swap3A_566, %swap3A_567, %swap3A_568], %swap3A_571 {strides = array<i32>} : memref<4x128x128xf32, #tpu.memory_space<vmem>>, vector<1x1x16xf32>,
      %add3A_572 = arith.constant 64 : i32
      %add3A_573 = arith.addi %add3A_572, %scan3A_558 : i32
      %get3A_574 = arith.index_cast %add3A_573 : i32 to index
      %get3A_575 = arith.constant 16 : index
      %get3A_576 = tpu.vector_load %arg5[%get3A_574, %get3A_575] {strides = array<i32>} : memref<128x128xi32, #tpu.memory_space<vmem>>, vector<1x16xi32>,
      %get3A_577 = vector.shape_cast %get3A_576 : vector<1x16xi32> to vector<16xi32>
      %convert_element_type3A_578 = arith.sitofp %get3A_577 : vector<16xi32> to vector<16xf32>
      %add3A_579 = arith.constant 64 : i32
      %add3A_580 = arith.addi %add3A_579, %scan3A_558 : i32
      %swap3A_581 = arith.constant 1 : i32
      %swap3A_582 = arith.index_cast %swap3A_581 : i32 to index
      %swap3A_583 = arith.index_cast %add3A_580 : i32 to index
      %swap3A_584 = arith.constant 16 : index
      %swap3A_585 = tpu.vector_load %arg6[%swap3A_582, %swap3A_583, %swap3A_584] {strides = array<i32>} : memref<4x128x128xf32, #tpu.memory_space<vmem>>, vector<1x1x16xf32>,
      %swap3A_586 = vector.shape_cast %swap3A_585 : vector<1x1x16xf32> to vector<16xf32>
      %swap3A_587 = vector.shape_cast %convert_element_type3A_578 : vector<16xf32> to vector<1x1x16xf32>
      tpu.vector_store %arg6[%swap3A_582, %swap3A_583, %swap3A_584], %swap3A_587 {strides = array<i32>} : memref<4x128x128xf32, #tpu.memory_space<vmem>>, vector<1x1x16xf32>,
      %add3A_588 = arith.constant 64 : i32
      %add3A_589 = arith.addi %add3A_588, %scan3A_558 : i32
      %get3A_590 = arith.index_cast %add3A_589 : i32 to index
      %get3A_591 = arith.constant 32 : index
      %get3A_592 = tpu.vector_load %arg5[%get3A_590, %get3A_591] {strides = array<i32>} : memref<128x128xi32, #tpu.memory_space<vmem>>, vector<1x16xi32>,
      %get3A_593 = vector.shape_cast %get3A_592 : vector<1x16xi32> to vector<16xi32>
      %convert_element_type3A_594 = arith.sitofp %get3A_593 : vector<16xi32> to vector<16xf32>
      %add3A_595 = arith.constant 64 : i32
      %add3A_596 = arith.addi %add3A_595, %scan3A_558 : i32
      %swap3A_597 = arith.constant 1 : i32
      %swap3A_598 = arith.index_cast %swap3A_597 : i32 to index
      %swap3A_599 = arith.index_cast %add3A_596 : i32 to index
      %swap3A_600 = arith.constant 32 : index
      %swap3A_601 = tpu.vector_load %arg6[%swap3A_598, %swap3A_599, %swap3A_600] {strides = array<i32>} : memref<4x128x128xf32, #tpu.memory_space<vmem>>, vector<1x1x16xf32>,
      %swap3A_602 = vector.shape_cast %swap3A_601 : vector<1x1x16xf32> to vector<16xf32>
      %swap3A_603 = vector.shape_cast %convert_element_type3A_594 : vector<16xf32> to vector<1x1x16xf32>
      tpu.vector_store %arg6[%swap3A_598, %swap3A_599, %swap3A_600], %swap3A_603 {strides = array<i32>} : memref<4x128x128xf32, #tpu.memory_space<vmem>>, vector<1x1x16xf32>,
      %add3A_604 = arith.constant 64 : i32
      %add3A_605 = arith.addi %add3A_604, %scan3A_558 : i32
      %get3A_606 = arith.index_cast %add3A_605 : i32 to index
      %get3A_607 = arith.constant 48 : index
      %get3A_608 = tpu.vector_load %arg5[%get3A_606, %get3A_607] {strides = array<i32>} : memref<128x128xi32, #tpu.memory_space<vmem>>, vector<1x16xi32>,
      %get3A_609 = vector.shape_cast %get3A_608 : vector<1x16xi32> to vector<16xi32>
      %convert_element_type3A_610 = arith.sitofp %get3A_609 : vector<16xi32> to vector<16xf32>
      %add3A_611 = arith.constant 64 : i32
      %add3A_612 = arith.addi %add3A_611, %scan3A_558 : i32
      %swap3A_613 = arith.constant 1 : i32
      %swap3A_614 = arith.index_cast %swap3A_613 : i32 to index
      %swap3A_615 = arith.index_cast %add3A_612 : i32 to index
      %swap3A_616 = arith.constant 48 : index
      %swap3A_617 = tpu.vector_load %arg6[%swap3A_614, %swap3A_615, %swap3A_616] {strides = array<i32>} : memref<4x128x128xf32, #tpu.memory_space<vmem>>, vector<1x1x16xf32>,
      %swap3A_618 = vector.shape_cast %swap3A_617 : vector<1x1x16xf32> to vector<16xf32>
      %swap3A_619 = vector.shape_cast %convert_element_type3A_610 : vector<16xf32> to vector<1x1x16xf32>
      tpu.vector_store %arg6[%swap3A_614, %swap3A_615, %swap3A_616], %swap3A_619 {strides = array<i32>} : memref<4x128x128xf32, #tpu.memory_space<vmem>>, vector<1x1x16xf32>,
      %add3A_620 = arith.constant 64 : i32
      %add3A_621 = arith.addi %add3A_620, %scan3A_558 : i32
      %get3A_622 = arith.index_cast %add3A_621 : i32 to index
      %get3A_623 = arith.constant 64 : index
      %get3A_624 = tpu.vector_load %arg5[%get3A_622, %get3A_623] {strides = array<i32>} : memref<128x128xi32, #tpu.memory_space<vmem>>, vector<1x16xi32>,
      %get3A_625 = vector.shape_cast %get3A_624 : vector<1x16xi32> to vector<16xi32>
      %convert_element_type3A_626 = arith.sitofp %get3A_625 : vector<16xi32> to vector<16xf32>
      %add3A_627 = arith.constant 64 : i32
      %add3A_628 = arith.addi %add3A_627, %scan3A_558 : i32
      %swap3A_629 = arith.constant 1 : i32
      %swap3A_630 = arith.index_cast %swap3A_629 : i32 to index
      %swap3A_631 = arith.index_cast %add3A_628 : i32 to index
      %swap3A_632 = arith.constant 64 : index
      %swap3A_633 = tpu.vector_load %arg6[%swap3A_630, %swap3A_631, %swap3A_632] {strides = array<i32>} : memref<4x128x128xf32, #tpu.memory_space<vmem>>, vector<1x1x16xf32>,
      %swap3A_634 = vector.shape_cast %swap3A_633 : vector<1x1x16xf32> to vector<16xf32>
      %swap3A_635 = vector.shape_cast %convert_element_type3A_626 : vector<16xf32> to vector<1x1x16xf32>
      tpu.vector_store %arg6[%swap3A_630, %swap3A_631, %swap3A_632], %swap3A_635 {strides = array<i32>} : memref<4x128x128xf32, #tpu.memory_space<vmem>>, vector<1x1x16xf32>,
      %add3A_636 = arith.constant 64 : i32
      %add3A_637 = arith.addi %add3A_636, %scan3A_558 : i32
      %get3A_638 = arith.index_cast %add3A_637 : i32 to index
      %get3A_639 = arith.constant 80 : index
      %get3A_640 = tpu.vector_load %arg5[%get3A_638, %get3A_639] {strides = array<i32>} : memref<128x128xi32, #tpu.memory_space<vmem>>, vector<1x16xi32>,
      %get3A_641 = vector.shape_cast %get3A_640 : vector<1x16xi32> to vector<16xi32>
      %convert_element_type3A_642 = arith.sitofp %get3A_641 : vector<16xi32> to vector<16xf32>
      %add3A_643 = arith.constant 64 : i32
      %add3A_644 = arith.addi %add3A_643, %scan3A_558 : i32
      %swap3A_645 = arith.constant 1 : i32
      %swap3A_646 = arith.index_cast %swap3A_645 : i32 to index
      %swap3A_647 = arith.index_cast %add3A_644 : i32 to index
      %swap3A_648 = arith.constant 80 : index
      %swap3A_649 = tpu.vector_load %arg6[%swap3A_646, %swap3A_647, %swap3A_648] {strides = array<i32>} : memref<4x128x128xf32, #tpu.memory_space<vmem>>, vector<1x1x16xf32>,
      %swap3A_650 = vector.shape_cast %swap3A_649 : vector<1x1x16xf32> to vector<16xf32>
      %swap3A_651 = vector.shape_cast %convert_element_type3A_642 : vector<16xf32> to vector<1x1x16xf32>
      tpu.vector_store %arg6[%swap3A_646, %swap3A_647, %swap3A_648], %swap3A_651 {strides = array<i32>} : memref<4x128x128xf32, #tpu.memory_space<vmem>>, vector<1x1x16xf32>,
      %add3A_652 = arith.constant 64 : i32
      %add3A_653 = arith.addi %add3A_652, %scan3A_558 : i32
      %get3A_654 = arith.index_cast %add3A_653 : i32 to index
      %get3A_655 = arith.constant 96 : index
      %get3A_656 = tpu.vector_load %arg5[%get3A_654, %get3A_655] {strides = array<i32>} : memref<128x128xi32, #tpu.memory_space<vmem>>, vector<1x16xi32>,
      %get3A_657 = vector.shape_cast %get3A_656 : vector<1x16xi32> to vector<16xi32>
      %convert_element_type3A_658 = arith.sitofp %get3A_657 : vector<16xi32> to vector<16xf32>
      %add3A_659 = arith.constant 64 : i32
      %add3A_660 = arith.addi %add3A_659, %scan3A_558 : i32
      %swap3A_661 = arith.constant 1 : i32
      %swap3A_662 = arith.index_cast %swap3A_661 : i32 to index
      %swap3A_663 = arith.index_cast %add3A_660 : i32 to index
      %swap3A_664 = arith.constant 96 : index
      %swap3A_665 = tpu.vector_load %arg6[%swap3A_662, %swap3A_663, %swap3A_664] {strides = array<i32>} : memref<4x128x128xf32, #tpu.memory_space<vmem>>, vector<1x1x16xf32>,
      %swap3A_666 = vector.shape_cast %swap3A_665 : vector<1x1x16xf32> to vector<16xf32>
      %swap3A_667 = vector.shape_cast %convert_element_type3A_658 : vector<16xf32> to vector<1x1x16xf32>
      tpu.vector_store %arg6[%swap3A_662, %swap3A_663, %swap3A_664], %swap3A_667 {strides = array<i32>} : memref<4x128x128xf32, #tpu.memory_space<vmem>>, vector<1x1x16xf32>,
      %add3A_668 = arith.constant 64 : i32
      %add3A_669 = arith.addi %add3A_668, %scan3A_558 : i32
      %get3A_670 = arith.index_cast %add3A_669 : i32 to index
      %get3A_671 = arith.constant 112 : index
      %get3A_672 = tpu.vector_load %arg5[%get3A_670, %get3A_671] {strides = array<i32>} : memref<128x128xi32, #tpu.memory_space<vmem>>, vector<1x16xi32>,
      %get3A_673 = vector.shape_cast %get3A_672 : vector<1x16xi32> to vector<16xi32>
      %convert_element_type3A_674 = arith.sitofp %get3A_673 : vector<16xi32> to vector<16xf32>
      %add3A_675 = arith.constant 64 : i32
      %add3A_676 = arith.addi %add3A_675, %scan3A_558 : i32
      %swap3A_677 = arith.constant 1 : i32
      %swap3A_678 = arith.index_cast %swap3A_677 : i32 to index
      %swap3A_679 = arith.index_cast %add3A_676 : i32 to index
      %swap3A_680 = arith.constant 112 : index
      %swap3A_681 = tpu.vector_load %arg6[%swap3A_678, %swap3A_679, %swap3A_680] {strides = array<i32>} : memref<4x128x128xf32, #tpu.memory_space<vmem>>, vector<1x1x16xf32>,
      %swap3A_682 = vector.shape_cast %swap3A_681 : vector<1x1x16xf32> to vector<16xf32>
      %swap3A_683 = vector.shape_cast %convert_element_type3A_674 : vector<16xf32> to vector<1x1x16xf32>
      tpu.vector_store %arg6[%swap3A_678, %swap3A_679, %swap3A_680], %swap3A_683 {strides = array<i32>} : memref<4x128x128xf32, #tpu.memory_space<vmem>>, vector<1x1x16xf32>,
    }
    %scan3A_67 = arith.constant 64 : i32
    %mul3A_68 = arith.constant 4 : i32
    %mul3A_69 = arith.muli %add3A, %mul3A_68 : i32
    %add3A_70 = arith.constant 1 : i32
    %add3A_71 = arith.addi %mul3A_69, %add3A_70 : i32
    %dma_start3A_72 = arith.constant 1 : i32
    %dma_start3A_73 = arith.constant 64 : i32
    %dma_start3A_74 = arith.constant 0 : i32
    %dma_start3A_75 = tpu.memref_slice %arg6[%dma_start3A_72, %dma_start3A_73, %dma_start3A_74] : memref<4x128x128xf32, #tpu.memory_space<vmem>> -> memref<1x64x128xf32, #tpu.memory_space<vmem>>
    %dma_start3A_76 = tpu.memref_squeeze %dma_start3A_75 : memref<1x64x128xf32, #tpu.memory_space<vmem>> -> memref<64x128xf32, #tpu.memory_space<vmem>>
    %dma_start3A_77 = arith.constant 64 : i32
    %dma_start3A_78 = tpu.memref_slice %arg5[%add3A_71, %dma_start3A_77] : memref<128x128xi32, #tpu.memory_space<vmem>> -> memref<1x64xi32, #tpu.memory_space<vmem>>
    %dma_start3A_79 = tpu.memref_squeeze %dma_start3A_78 : memref<1x64xi32, #tpu.memory_space<vmem>> -> memref<64xi32, #tpu.memory_space<vmem>>
    %dma_start3A_80 = arith.constant 0 : i32
    %dma_start3A_81 = arith.constant 0 : i32
    %dma_start3A_82 = tpu.memref_slice %arg3[%dma_start3A_80, %dma_start3A_81] : memref<1000000x128xf32, #tpu.memory_space<hbm>> -> memref<1000000x128xf32, #tpu.memory_space<hbm>>
    tpu.enqueue_indirect_dma source(%dma_start3A_82 : memref<1000000x128xf32, #tpu.memory_space<hbm>>) target(%dma_start3A_76 : memref<64x128xf32, #tpu.memory_space<vmem>>) offsets(%dma_start3A_79 : memref<64xi32, #tpu.memory_space<vmem>>) semaphore(%arg10 : memref<!tpu.dma_semaphore, #tpu.memory_space<semaphore_mem>>) {add = true}
    %scan3A_83 = arith.constant 0 : i32
    %scan3A_84 = arith.constant 0 : i32
    %scan3A_85 = arith.constant 64 : i32
    %scan3A_86 = arith.addi %scan3A_84, %scan3A_85 : i32
    %scan3A_87 = arith.constant 1 : i32
    scf.for %scan3A_558 = %scan3A_84 to %scan3A_86 step %scan3A_87  : i32 {
      %add3A_559 = arith.constant 0 : i32
      %add3A_560 = arith.addi %add3A_559, %scan3A_558 : i32
      %get3A = arith.index_cast %add3A_560 : i32 to index
      %get3A_561 = arith.constant 0 : index
      %get3A_562 = tpu.vector_load %arg5[%get3A, %get3A_561] {strides = array<i32>} : memref<128x128xi32, #tpu.memory_space<vmem>>, vector<1x16xi32>,
      %get3A_563 = vector.shape_cast %get3A_562 : vector<1x16xi32> to vector<16xi32>
      %convert_element_type3A = arith.sitofp %get3A_563 : vector<16xi32> to vector<16xf32>
      %add3A_564 = arith.constant 0 : i32
      %add3A_565 = arith.addi %add3A_564, %scan3A_558 : i32
      %swap3A = arith.constant 2 : i32
      %swap3A_566 = arith.index_cast %swap3A : i32 to index
      %swap3A_567 = arith.index_cast %add3A_565 : i32 to index
      %swap3A_568 = arith.constant 0 : index
      %swap3A_569 = tpu.vector_load %arg6[%swap3A_566, %swap3A_567, %swap3A_568] {strides = array<i32>} : memref<4x128x128xf32, #tpu.memory_space<vmem>>, vector<1x1x16xf32>,
      %swap3A_570 = vector.shape_cast %swap3A_569 : vector<1x1x16xf32> to vector<16xf32>
      %swap3A_571 = vector.shape_cast %convert_element_type3A : vector<16xf32> to vector<1x1x16xf32>
      tpu.vector_store %arg6[%swap3A_566, %swap3A_567, %swap3A_568], %swap3A_571 {strides = array<i32>} : memref<4x128x128xf32, #tpu.memory_space<vmem>>, vector<1x1x16xf32>,
      %add3A_572 = arith.constant 0 : i32
      %add3A_573 = arith.addi %add3A_572, %scan3A_558 : i32
      %get3A_574 = arith.index_cast %add3A_573 : i32 to index
      %get3A_575 = arith.constant 16 : index
      %get3A_576 = tpu.vector_load %arg5[%get3A_574, %get3A_575] {strides = array<i32>} : memref<128x128xi32, #tpu.memory_space<vmem>>, vector<1x16xi32>,
      %get3A_577 = vector.shape_cast %get3A_576 : vector<1x16xi32> to vector<16xi32>
      %convert_element_type3A_578 = arith.sitofp %get3A_577 : vector<16xi32> to vector<16xf32>
      %add3A_579 = arith.constant 0 : i32
      %add3A_580 = arith.addi %add3A_579, %scan3A_558 : i32
      %swap3A_581 = arith.constant 2 : i32
      %swap3A_582 = arith.index_cast %swap3A_581 : i32 to index
      %swap3A_583 = arith.index_cast %add3A_580 : i32 to index
      %swap3A_584 = arith.constant 16 : index
      %swap3A_585 = tpu.vector_load %arg6[%swap3A_582, %swap3A_583, %swap3A_584] {strides = array<i32>} : memref<4x128x128xf32, #tpu.memory_space<vmem>>, vector<1x1x16xf32>,
      %swap3A_586 = vector.shape_cast %swap3A_585 : vector<1x1x16xf32> to vector<16xf32>
      %swap3A_587 = vector.shape_cast %convert_element_type3A_578 : vector<16xf32> to vector<1x1x16xf32>
      tpu.vector_store %arg6[%swap3A_582, %swap3A_583, %swap3A_584], %swap3A_587 {strides = array<i32>} : memref<4x128x128xf32, #tpu.memory_space<vmem>>, vector<1x1x16xf32>,
      %add3A_588 = arith.constant 0 : i32
      %add3A_589 = arith.addi %add3A_588, %scan3A_558 : i32
      %get3A_590 = arith.index_cast %add3A_589 : i32 to index
      %get3A_591 = arith.constant 32 : index
      %get3A_592 = tpu.vector_load %arg5[%get3A_590, %get3A_591] {strides = array<i32>} : memref<128x128xi32, #tpu.memory_space<vmem>>, vector<1x16xi32>,
      %get3A_593 = vector.shape_cast %get3A_592 : vector<1x16xi32> to vector<16xi32>
      %convert_element_type3A_594 = arith.sitofp %get3A_593 : vector<16xi32> to vector<16xf32>
      %add3A_595 = arith.constant 0 : i32
      %add3A_596 = arith.addi %add3A_595, %scan3A_558 : i32
      %swap3A_597 = arith.constant 2 : i32
      %swap3A_598 = arith.index_cast %swap3A_597 : i32 to index
      %swap3A_599 = arith.index_cast %add3A_596 : i32 to index
      %swap3A_600 = arith.constant 32 : index
      %swap3A_601 = tpu.vector_load %arg6[%swap3A_598, %swap3A_599, %swap3A_600] {strides = array<i32>} : memref<4x128x128xf32, #tpu.memory_space<vmem>>, vector<1x1x16xf32>,
      %swap3A_602 = vector.shape_cast %swap3A_601 : vector<1x1x16xf32> to vector<16xf32>
      %swap3A_603 = vector.shape_cast %convert_element_type3A_594 : vector<16xf32> to vector<1x1x16xf32>
      tpu.vector_store %arg6[%swap3A_598, %swap3A_599, %swap3A_600], %swap3A_603 {strides = array<i32>} : memref<4x128x128xf32, #tpu.memory_space<vmem>>, vector<1x1x16xf32>,
      %add3A_604 = arith.constant 0 : i32
      %add3A_605 = arith.addi %add3A_604, %scan3A_558 : i32
      %get3A_606 = arith.index_cast %add3A_605 : i32 to index
      %get3A_607 = arith.constant 48 : index
      %get3A_608 = tpu.vector_load %arg5[%get3A_606, %get3A_607] {strides = array<i32>} : memref<128x128xi32, #tpu.memory_space<vmem>>, vector<1x16xi32>,
      %get3A_609 = vector.shape_cast %get3A_608 : vector<1x16xi32> to vector<16xi32>
      %convert_element_type3A_610 = arith.sitofp %get3A_609 : vector<16xi32> to vector<16xf32>
      %add3A_611 = arith.constant 0 : i32
      %add3A_612 = arith.addi %add3A_611, %scan3A_558 : i32
      %swap3A_613 = arith.constant 2 : i32
      %swap3A_614 = arith.index_cast %swap3A_613 : i32 to index
      %swap3A_615 = arith.index_cast %add3A_612 : i32 to index
      %swap3A_616 = arith.constant 48 : index
      %swap3A_617 = tpu.vector_load %arg6[%swap3A_614, %swap3A_615, %swap3A_616] {strides = array<i32>} : memref<4x128x128xf32, #tpu.memory_space<vmem>>, vector<1x1x16xf32>,
      %swap3A_618 = vector.shape_cast %swap3A_617 : vector<1x1x16xf32> to vector<16xf32>
      %swap3A_619 = vector.shape_cast %convert_element_type3A_610 : vector<16xf32> to vector<1x1x16xf32>
      tpu.vector_store %arg6[%swap3A_614, %swap3A_615, %swap3A_616], %swap3A_619 {strides = array<i32>} : memref<4x128x128xf32, #tpu.memory_space<vmem>>, vector<1x1x16xf32>,
      %add3A_620 = arith.constant 0 : i32
      %add3A_621 = arith.addi %add3A_620, %scan3A_558 : i32
      %get3A_622 = arith.index_cast %add3A_621 : i32 to index
      %get3A_623 = arith.constant 64 : index
      %get3A_624 = tpu.vector_load %arg5[%get3A_622, %get3A_623] {strides = array<i32>} : memref<128x128xi32, #tpu.memory_space<vmem>>, vector<1x16xi32>,
      %get3A_625 = vector.shape_cast %get3A_624 : vector<1x16xi32> to vector<16xi32>
      %convert_element_type3A_626 = arith.sitofp %get3A_625 : vector<16xi32> to vector<16xf32>
      %add3A_627 = arith.constant 0 : i32
      %add3A_628 = arith.addi %add3A_627, %scan3A_558 : i32
      %swap3A_629 = arith.constant 2 : i32
      %swap3A_630 = arith.index_cast %swap3A_629 : i32 to index
      %swap3A_631 = arith.index_cast %add3A_628 : i32 to index
      %swap3A_632 = arith.constant 64 : index
      %swap3A_633 = tpu.vector_load %arg6[%swap3A_630, %swap3A_631, %swap3A_632] {strides = array<i32>} : memref<4x128x128xf32, #tpu.memory_space<vmem>>, vector<1x1x16xf32>,
      %swap3A_634 = vector.shape_cast %swap3A_633 : vector<1x1x16xf32> to vector<16xf32>
      %swap3A_635 = vector.shape_cast %convert_element_type3A_626 : vector<16xf32> to vector<1x1x16xf32>
      tpu.vector_store %arg6[%swap3A_630, %swap3A_631, %swap3A_632], %swap3A_635 {strides = array<i32>} : memref<4x128x128xf32, #tpu.memory_space<vmem>>, vector<1x1x16xf32>,
      %add3A_636 = arith.constant 0 : i32
      %add3A_637 = arith.addi %add3A_636, %scan3A_558 : i32
      %get3A_638 = arith.index_cast %add3A_637 : i32 to index
      %get3A_639 = arith.constant 80 : index
      %get3A_640 = tpu.vector_load %arg5[%get3A_638, %get3A_639] {strides = array<i32>} : memref<128x128xi32, #tpu.memory_space<vmem>>, vector<1x16xi32>,
      %get3A_641 = vector.shape_cast %get3A_640 : vector<1x16xi32> to vector<16xi32>
      %convert_element_type3A_642 = arith.sitofp %get3A_641 : vector<16xi32> to vector<16xf32>
      %add3A_643 = arith.constant 0 : i32
      %add3A_644 = arith.addi %add3A_643, %scan3A_558 : i32
      %swap3A_645 = arith.constant 2 : i32
      %swap3A_646 = arith.index_cast %swap3A_645 : i32 to index
      %swap3A_647 = arith.index_cast %add3A_644 : i32 to index
      %swap3A_648 = arith.constant 80 : index
      %swap3A_649 = tpu.vector_load %arg6[%swap3A_646, %swap3A_647, %swap3A_648] {strides = array<i32>} : memref<4x128x128xf32, #tpu.memory_space<vmem>>, vector<1x1x16xf32>,
      %swap3A_650 = vector.shape_cast %swap3A_649 : vector<1x1x16xf32> to vector<16xf32>
      %swap3A_651 = vector.shape_cast %convert_element_type3A_642 : vector<16xf32> to vector<1x1x16xf32>
      tpu.vector_store %arg6[%swap3A_646, %swap3A_647, %swap3A_648], %swap3A_651 {strides = array<i32>} : memref<4x128x128xf32, #tpu.memory_space<vmem>>, vector<1x1x16xf32>,
      %add3A_652 = arith.constant 0 : i32
      %add3A_653 = arith.addi %add3A_652, %scan3A_558 : i32
      %get3A_654 = arith.index_cast %add3A_653 : i32 to index
      %get3A_655 = arith.constant 96 : index
      %get3A_656 = tpu.vector_load %arg5[%get3A_654, %get3A_655] {strides = array<i32>} : memref<128x128xi32, #tpu.memory_space<vmem>>, vector<1x16xi32>,
      %get3A_657 = vector.shape_cast %get3A_656 : vector<1x16xi32> to vector<16xi32>
      %convert_element_type3A_658 = arith.sitofp %get3A_657 : vector<16xi32> to vector<16xf32>
      %add3A_659 = arith.constant 0 : i32
      %add3A_660 = arith.addi %add3A_659, %scan3A_558 : i32
      %swap3A_661 = arith.constant 2 : i32
      %swap3A_662 = arith.index_cast %swap3A_661 : i32 to index
      %swap3A_663 = arith.index_cast %add3A_660 : i32 to index
      %swap3A_664 = arith.constant 96 : index
      %swap3A_665 = tpu.vector_load %arg6[%swap3A_662, %swap3A_663, %swap3A_664] {strides = array<i32>} : memref<4x128x128xf32, #tpu.memory_space<vmem>>, vector<1x1x16xf32>,
      %swap3A_666 = vector.shape_cast %swap3A_665 : vector<1x1x16xf32> to vector<16xf32>
      %swap3A_667 = vector.shape_cast %convert_element_type3A_658 : vector<16xf32> to vector<1x1x16xf32>
      tpu.vector_store %arg6[%swap3A_662, %swap3A_663, %swap3A_664], %swap3A_667 {strides = array<i32>} : memref<4x128x128xf32, #tpu.memory_space<vmem>>, vector<1x1x16xf32>,
      %add3A_668 = arith.constant 0 : i32
      %add3A_669 = arith.addi %add3A_668, %scan3A_558 : i32
      %get3A_670 = arith.index_cast %add3A_669 : i32 to index
      %get3A_671 = arith.constant 112 : index
      %get3A_672 = tpu.vector_load %arg5[%get3A_670, %get3A_671] {strides = array<i32>} : memref<128x128xi32, #tpu.memory_space<vmem>>, vector<1x16xi32>,
      %get3A_673 = vector.shape_cast %get3A_672 : vector<1x16xi32> to vector<16xi32>
      %convert_element_type3A_674 = arith.sitofp %get3A_673 : vector<16xi32> to vector<16xf32>
      %add3A_675 = arith.constant 0 : i32
      %add3A_676 = arith.addi %add3A_675, %scan3A_558 : i32
      %swap3A_677 = arith.constant 2 : i32
      %swap3A_678 = arith.index_cast %swap3A_677 : i32 to index
      %swap3A_679 = arith.index_cast %add3A_676 : i32 to index
      %swap3A_680 = arith.constant 112 : index
      %swap3A_681 = tpu.vector_load %arg6[%swap3A_678, %swap3A_679, %swap3A_680] {strides = array<i32>} : memref<4x128x128xf32, #tpu.memory_space<vmem>>, vector<1x1x16xf32>,
      %swap3A_682 = vector.shape_cast %swap3A_681 : vector<1x1x16xf32> to vector<16xf32>
      %swap3A_683 = vector.shape_cast %convert_element_type3A_674 : vector<16xf32> to vector<1x1x16xf32>
      tpu.vector_store %arg6[%swap3A_678, %swap3A_679, %swap3A_680], %swap3A_683 {strides = array<i32>} : memref<4x128x128xf32, #tpu.memory_space<vmem>>, vector<1x1x16xf32>,
    }
    %scan3A_88 = arith.constant 64 : i32
    %mul3A_89 = arith.constant 4 : i32
    %mul3A_90 = arith.muli %add3A, %mul3A_89 : i32
    %add3A_91 = arith.constant 2 : i32
    %add3A_92 = arith.addi %mul3A_90, %add3A_91 : i32
    %dma_start3A_93 = arith.constant 2 : i32
    %dma_start3A_94 = arith.constant 0 : i32
    %dma_start3A_95 = arith.constant 0 : i32
    %dma_start3A_96 = tpu.memref_slice %arg6[%dma_start3A_93, %dma_start3A_94, %dma_start3A_95] : memref<4x128x128xf32, #tpu.memory_space<vmem>> -> memref<1x64x128xf32, #tpu.memory_space<vmem>>
    %dma_start3A_97 = tpu.memref_squeeze %dma_start3A_96 : memref<1x64x128xf32, #tpu.memory_space<vmem>> -> memref<64x128xf32, #tpu.memory_space<vmem>>
    %dma_start3A_98 = arith.constant 0 : i32
    %dma_start3A_99 = tpu.memref_slice %arg5[%add3A_92, %dma_start3A_98] : memref<128x128xi32, #tpu.memory_space<vmem>> -> memref<1x64xi32, #tpu.memory_space<vmem>>
    %dma_start3A_100 = tpu.memref_squeeze %dma_start3A_99 : memref<1x64xi32, #tpu.memory_space<vmem>> -> memref<64xi32, #tpu.memory_space<vmem>>
    %dma_start3A_101 = arith.constant 0 : i32
    %dma_start3A_102 = arith.constant 0 : i32
    %dma_start3A_103 = tpu.memref_slice %arg3[%dma_start3A_101, %dma_start3A_102] : memref<1000000x128xf32, #tpu.memory_space<hbm>> -> memref<1000000x128xf32, #tpu.memory_space<hbm>>
    tpu.enqueue_indirect_dma source(%dma_start3A_103 : memref<1000000x128xf32, #tpu.memory_space<hbm>>) target(%dma_start3A_97 : memref<64x128xf32, #tpu.memory_space<vmem>>) offsets(%dma_start3A_100 : memref<64xi32, #tpu.memory_space<vmem>>) semaphore(%arg11 : memref<!tpu.dma_semaphore, #tpu.memory_space<semaphore_mem>>) {add = true}
    %scan3A_104 = arith.constant 0 : i32
    %scan3A_105 = arith.constant 0 : i32
    %scan3A_106 = arith.constant 64 : i32
    %scan3A_107 = arith.addi %scan3A_105, %scan3A_106 : i32
    %scan3A_108 = arith.constant 1 : i32
    scf.for %scan3A_558 = %scan3A_105 to %scan3A_107 step %scan3A_108  : i32 {
      %add3A_559 = arith.constant 64 : i32
      %add3A_560 = arith.addi %add3A_559, %scan3A_558 : i32
      %get3A = arith.index_cast %add3A_560 : i32 to index
      %get3A_561 = arith.constant 0 : index
      %get3A_562 = tpu.vector_load %arg5[%get3A, %get3A_561] {strides = array<i32>} : memref<128x128xi32, #tpu.memory_space<vmem>>, vector<1x16xi32>,
      %get3A_563 = vector.shape_cast %get3A_562 : vector<1x16xi32> to vector<16xi32>
      %convert_element_type3A = arith.sitofp %get3A_563 : vector<16xi32> to vector<16xf32>
      %add3A_564 = arith.constant 64 : i32
      %add3A_565 = arith.addi %add3A_564, %scan3A_558 : i32
      %swap3A = arith.constant 2 : i32
      %swap3A_566 = arith.index_cast %swap3A : i32 to index
      %swap3A_567 = arith.index_cast %add3A_565 : i32 to index
      %swap3A_568 = arith.constant 0 : index
      %swap3A_569 = tpu.vector_load %arg6[%swap3A_566, %swap3A_567, %swap3A_568] {strides = array<i32>} : memref<4x128x128xf32, #tpu.memory_space<vmem>>, vector<1x1x16xf32>,
      %swap3A_570 = vector.shape_cast %swap3A_569 : vector<1x1x16xf32> to vector<16xf32>
      %swap3A_571 = vector.shape_cast %convert_element_type3A : vector<16xf32> to vector<1x1x16xf32>
      tpu.vector_store %arg6[%swap3A_566, %swap3A_567, %swap3A_568], %swap3A_571 {strides = array<i32>} : memref<4x128x128xf32, #tpu.memory_space<vmem>>, vector<1x1x16xf32>,
      %add3A_572 = arith.constant 64 : i32
      %add3A_573 = arith.addi %add3A_572, %scan3A_558 : i32
      %get3A_574 = arith.index_cast %add3A_573 : i32 to index
      %get3A_575 = arith.constant 16 : index
      %get3A_576 = tpu.vector_load %arg5[%get3A_574, %get3A_575] {strides = array<i32>} : memref<128x128xi32, #tpu.memory_space<vmem>>, vector<1x16xi32>,
      %get3A_577 = vector.shape_cast %get3A_576 : vector<1x16xi32> to vector<16xi32>
      %convert_element_type3A_578 = arith.sitofp %get3A_577 : vector<16xi32> to vector<16xf32>
      %add3A_579 = arith.constant 64 : i32
      %add3A_580 = arith.addi %add3A_579, %scan3A_558 : i32
      %swap3A_581 = arith.constant 2 : i32
      %swap3A_582 = arith.index_cast %swap3A_581 : i32 to index
      %swap3A_583 = arith.index_cast %add3A_580 : i32 to index
      %swap3A_584 = arith.constant 16 : index
      %swap3A_585 = tpu.vector_load %arg6[%swap3A_582, %swap3A_583, %swap3A_584] {strides = array<i32>} : memref<4x128x128xf32, #tpu.memory_space<vmem>>, vector<1x1x16xf32>,
      %swap3A_586 = vector.shape_cast %swap3A_585 : vector<1x1x16xf32> to vector<16xf32>
      %swap3A_587 = vector.shape_cast %convert_element_type3A_578 : vector<16xf32> to vector<1x1x16xf32>
      tpu.vector_store %arg6[%swap3A_582, %swap3A_583, %swap3A_584], %swap3A_587 {strides = array<i32>} : memref<4x128x128xf32, #tpu.memory_space<vmem>>, vector<1x1x16xf32>,
      %add3A_588 = arith.constant 64 : i32
      %add3A_589 = arith.addi %add3A_588, %scan3A_558 : i32
      %get3A_590 = arith.index_cast %add3A_589 : i32 to index
      %get3A_591 = arith.constant 32 : index
      %get3A_592 = tpu.vector_load %arg5[%get3A_590, %get3A_591] {strides = array<i32>} : memref<128x128xi32, #tpu.memory_space<vmem>>, vector<1x16xi32>,
      %get3A_593 = vector.shape_cast %get3A_592 : vector<1x16xi32> to vector<16xi32>
      %convert_element_type3A_594 = arith.sitofp %get3A_593 : vector<16xi32> to vector<16xf32>
      %add3A_595 = arith.constant 64 : i32
      %add3A_596 = arith.addi %add3A_595, %scan3A_558 : i32
      %swap3A_597 = arith.constant 2 : i32
      %swap3A_598 = arith.index_cast %swap3A_597 : i32 to index
      %swap3A_599 = arith.index_cast %add3A_596 : i32 to index
      %swap3A_600 = arith.constant 32 : index
      %swap3A_601 = tpu.vector_load %arg6[%swap3A_598, %swap3A_599, %swap3A_600] {strides = array<i32>} : memref<4x128x128xf32, #tpu.memory_space<vmem>>, vector<1x1x16xf32>,
      %swap3A_602 = vector.shape_cast %swap3A_601 : vector<1x1x16xf32> to vector<16xf32>
      %swap3A_603 = vector.shape_cast %convert_element_type3A_594 : vector<16xf32> to vector<1x1x16xf32>
      tpu.vector_store %arg6[%swap3A_598, %swap3A_599, %swap3A_600], %swap3A_603 {strides = array<i32>} : memref<4x128x128xf32, #tpu.memory_space<vmem>>, vector<1x1x16xf32>,
      %add3A_604 = arith.constant 64 : i32
      %add3A_605 = arith.addi %add3A_604, %scan3A_558 : i32
      %get3A_606 = arith.index_cast %add3A_605 : i32 to index
      %get3A_607 = arith.constant 48 : index
      %get3A_608 = tpu.vector_load %arg5[%get3A_606, %get3A_607] {strides = array<i32>} : memref<128x128xi32, #tpu.memory_space<vmem>>, vector<1x16xi32>,
      %get3A_609 = vector.shape_cast %get3A_608 : vector<1x16xi32> to vector<16xi32>
      %convert_element_type3A_610 = arith.sitofp %get3A_609 : vector<16xi32> to vector<16xf32>
      %add3A_611 = arith.constant 64 : i32
      %add3A_612 = arith.addi %add3A_611, %scan3A_558 : i32
      %swap3A_613 = arith.constant 2 : i32
      %swap3A_614 = arith.index_cast %swap3A_613 : i32 to index
      %swap3A_615 = arith.index_cast %add3A_612 : i32 to index
      %swap3A_616 = arith.constant 48 : index
      %swap3A_617 = tpu.vector_load %arg6[%swap3A_614, %swap3A_615, %swap3A_616] {strides = array<i32>} : memref<4x128x128xf32, #tpu.memory_space<vmem>>, vector<1x1x16xf32>,
      %swap3A_618 = vector.shape_cast %swap3A_617 : vector<1x1x16xf32> to vector<16xf32>
      %swap3A_619 = vector.shape_cast %convert_element_type3A_610 : vector<16xf32> to vector<1x1x16xf32>
      tpu.vector_store %arg6[%swap3A_614, %swap3A_615, %swap3A_616], %swap3A_619 {strides = array<i32>} : memref<4x128x128xf32, #tpu.memory_space<vmem>>, vector<1x1x16xf32>,
      %add3A_620 = arith.constant 64 : i32
      %add3A_621 = arith.addi %add3A_620, %scan3A_558 : i32
      %get3A_622 = arith.index_cast %add3A_621 : i32 to index
      %get3A_623 = arith.constant 64 : index
      %get3A_624 = tpu.vector_load %arg5[%get3A_622, %get3A_623] {strides = array<i32>} : memref<128x128xi32, #tpu.memory_space<vmem>>, vector<1x16xi32>,
      %get3A_625 = vector.shape_cast %get3A_624 : vector<1x16xi32> to vector<16xi32>
      %convert_element_type3A_626 = arith.sitofp %get3A_625 : vector<16xi32> to vector<16xf32>
      %add3A_627 = arith.constant 64 : i32
      %add3A_628 = arith.addi %add3A_627, %scan3A_558 : i32
      %swap3A_629 = arith.constant 2 : i32
      %swap3A_630 = arith.index_cast %swap3A_629 : i32 to index
      %swap3A_631 = arith.index_cast %add3A_628 : i32 to index
      %swap3A_632 = arith.constant 64 : index
      %swap3A_633 = tpu.vector_load %arg6[%swap3A_630, %swap3A_631, %swap3A_632] {strides = array<i32>} : memref<4x128x128xf32, #tpu.memory_space<vmem>>, vector<1x1x16xf32>,
      %swap3A_634 = vector.shape_cast %swap3A_633 : vector<1x1x16xf32> to vector<16xf32>
      %swap3A_635 = vector.shape_cast %convert_element_type3A_626 : vector<16xf32> to vector<1x1x16xf32>
      tpu.vector_store %arg6[%swap3A_630, %swap3A_631, %swap3A_632], %swap3A_635 {strides = array<i32>} : memref<4x128x128xf32, #tpu.memory_space<vmem>>, vector<1x1x16xf32>,
      %add3A_636 = arith.constant 64 : i32
      %add3A_637 = arith.addi %add3A_636, %scan3A_558 : i32
      %get3A_638 = arith.index_cast %add3A_637 : i32 to index
      %get3A_639 = arith.constant 80 : index
      %get3A_640 = tpu.vector_load %arg5[%get3A_638, %get3A_639] {strides = array<i32>} : memref<128x128xi32, #tpu.memory_space<vmem>>, vector<1x16xi32>,
      %get3A_641 = vector.shape_cast %get3A_640 : vector<1x16xi32> to vector<16xi32>
      %convert_element_type3A_642 = arith.sitofp %get3A_641 : vector<16xi32> to vector<16xf32>
      %add3A_643 = arith.constant 64 : i32
      %add3A_644 = arith.addi %add3A_643, %scan3A_558 : i32
      %swap3A_645 = arith.constant 2 : i32
      %swap3A_646 = arith.index_cast %swap3A_645 : i32 to index
      %swap3A_647 = arith.index_cast %add3A_644 : i32 to index
      %swap3A_648 = arith.constant 80 : index
      %swap3A_649 = tpu.vector_load %arg6[%swap3A_646, %swap3A_647, %swap3A_648] {strides = array<i32>} : memref<4x128x128xf32, #tpu.memory_space<vmem>>, vector<1x1x16xf32>,
      %swap3A_650 = vector.shape_cast %swap3A_649 : vector<1x1x16xf32> to vector<16xf32>
      %swap3A_651 = vector.shape_cast %convert_element_type3A_642 : vector<16xf32> to vector<1x1x16xf32>
      tpu.vector_store %arg6[%swap3A_646, %swap3A_647, %swap3A_648], %swap3A_651 {strides = array<i32>} : memref<4x128x128xf32, #tpu.memory_space<vmem>>, vector<1x1x16xf32>,
      %add3A_652 = arith.constant 64 : i32
      %add3A_653 = arith.addi %add3A_652, %scan3A_558 : i32
      %get3A_654 = arith.index_cast %add3A_653 : i32 to index
      %get3A_655 = arith.constant 96 : index
      %get3A_656 = tpu.vector_load %arg5[%get3A_654, %get3A_655] {strides = array<i32>} : memref<128x128xi32, #tpu.memory_space<vmem>>, vector<1x16xi32>,
      %get3A_657 = vector.shape_cast %get3A_656 : vector<1x16xi32> to vector<16xi32>
      %convert_element_type3A_658 = arith.sitofp %get3A_657 : vector<16xi32> to vector<16xf32>
      %add3A_659 = arith.constant 64 : i32
      %add3A_660 = arith.addi %add3A_659, %scan3A_558 : i32
      %swap3A_661 = arith.constant 2 : i32
      %swap3A_662 = arith.index_cast %swap3A_661 : i32 to index
      %swap3A_663 = arith.index_cast %add3A_660 : i32 to index
      %swap3A_664 = arith.constant 96 : index
      %swap3A_665 = tpu.vector_load %arg6[%swap3A_662, %swap3A_663, %swap3A_664] {strides = array<i32>} : memref<4x128x128xf32, #tpu.memory_space<vmem>>, vector<1x1x16xf32>,
      %swap3A_666 = vector.shape_cast %swap3A_665 : vector<1x1x16xf32> to vector<16xf32>
      %swap3A_667 = vector.shape_cast %convert_element_type3A_658 : vector<16xf32> to vector<1x1x16xf32>
      tpu.vector_store %arg6[%swap3A_662, %swap3A_663, %swap3A_664], %swap3A_667 {strides = array<i32>} : memref<4x128x128xf32, #tpu.memory_space<vmem>>, vector<1x1x16xf32>,
      %add3A_668 = arith.constant 64 : i32
      %add3A_669 = arith.addi %add3A_668, %scan3A_558 : i32
      %get3A_670 = arith.index_cast %add3A_669 : i32 to index
      %get3A_671 = arith.constant 112 : index
      %get3A_672 = tpu.vector_load %arg5[%get3A_670, %get3A_671] {strides = array<i32>} : memref<128x128xi32, #tpu.memory_space<vmem>>, vector<1x16xi32>,
      %get3A_673 = vector.shape_cast %get3A_672 : vector<1x16xi32> to vector<16xi32>
      %convert_element_type3A_674 = arith.sitofp %get3A_673 : vector<16xi32> to vector<16xf32>
      %add3A_675 = arith.constant 64 : i32
      %add3A_676 = arith.addi %add3A_675, %scan3A_558 : i32
      %swap3A_677 = arith.constant 2 : i32
      %swap3A_678 = arith.index_cast %swap3A_677 : i32 to index
      %swap3A_679 = arith.index_cast %add3A_676 : i32 to index
      %swap3A_680 = arith.constant 112 : index
      %swap3A_681 = tpu.vector_load %arg6[%swap3A_678, %swap3A_679, %swap3A_680] {strides = array<i32>} : memref<4x128x128xf32, #tpu.memory_space<vmem>>, vector<1x1x16xf32>,
      %swap3A_682 = vector.shape_cast %swap3A_681 : vector<1x1x16xf32> to vector<16xf32>
      %swap3A_683 = vector.shape_cast %convert_element_type3A_674 : vector<16xf32> to vector<1x1x16xf32>
      tpu.vector_store %arg6[%swap3A_678, %swap3A_679, %swap3A_680], %swap3A_683 {strides = array<i32>} : memref<4x128x128xf32, #tpu.memory_space<vmem>>, vector<1x1x16xf32>,
    }
    %scan3A_109 = arith.constant 64 : i32
    %mul3A_110 = arith.constant 4 : i32
    %mul3A_111 = arith.muli %add3A, %mul3A_110 : i32
    %add3A_112 = arith.constant 2 : i32
    %add3A_113 = arith.addi %mul3A_111, %add3A_112 : i32
    %dma_start3A_114 = arith.constant 2 : i32
    %dma_start3A_115 = arith.constant 64 : i32
    %dma_start3A_116 = arith.constant 0 : i32
    %dma_start3A_117 = tpu.memref_slice %arg6[%dma_start3A_114, %dma_start3A_115, %dma_start3A_116] : memref<4x128x128xf32, #tpu.memory_space<vmem>> -> memref<1x64x128xf32, #tpu.memory_space<vmem>>
    %dma_start3A_118 = tpu.memref_squeeze %dma_start3A_117 : memref<1x64x128xf32, #tpu.memory_space<vmem>> -> memref<64x128xf32, #tpu.memory_space<vmem>>
    %dma_start3A_119 = arith.constant 64 : i32
    %dma_start3A_120 = tpu.memref_slice %arg5[%add3A_113, %dma_start3A_119] : memref<128x128xi32, #tpu.memory_space<vmem>> -> memref<1x64xi32, #tpu.memory_space<vmem>>
    %dma_start3A_121 = tpu.memref_squeeze %dma_start3A_120 : memref<1x64xi32, #tpu.memory_space<vmem>> -> memref<64xi32, #tpu.memory_space<vmem>>
    %dma_start3A_122 = arith.constant 0 : i32
    %dma_start3A_123 = arith.constant 0 : i32
    %dma_start3A_124 = tpu.memref_slice %arg3[%dma_start3A_122, %dma_start3A_123] : memref<1000000x128xf32, #tpu.memory_space<hbm>> -> memref<1000000x128xf32, #tpu.memory_space<hbm>>
    tpu.enqueue_indirect_dma source(%dma_start3A_124 : memref<1000000x128xf32, #tpu.memory_space<hbm>>) target(%dma_start3A_118 : memref<64x128xf32, #tpu.memory_space<vmem>>) offsets(%dma_start3A_121 : memref<64xi32, #tpu.memory_space<vmem>>) semaphore(%arg12 : memref<!tpu.dma_semaphore, #tpu.memory_space<semaphore_mem>>) {add = true}
    %scan3A_125 = arith.constant 0 : i32
    %scan3A_126 = arith.constant 0 : i32
    %scan3A_127 = arith.constant 64 : i32
    %scan3A_128 = arith.addi %scan3A_126, %scan3A_127 : i32
    %scan3A_129 = arith.constant 1 : i32
    scf.for %scan3A_558 = %scan3A_126 to %scan3A_128 step %scan3A_129  : i32 {
      %add3A_559 = arith.constant 0 : i32
      %add3A_560 = arith.addi %add3A_559, %scan3A_558 : i32
      %get3A = arith.index_cast %add3A_560 : i32 to index
      %get3A_561 = arith.constant 0 : index
      %get3A_562 = tpu.vector_load %arg5[%get3A, %get3A_561] {strides = array<i32>} : memref<128x128xi32, #tpu.memory_space<vmem>>, vector<1x16xi32>,
      %get3A_563 = vector.shape_cast %get3A_562 : vector<1x16xi32> to vector<16xi32>
      %convert_element_type3A = arith.sitofp %get3A_563 : vector<16xi32> to vector<16xf32>
      %add3A_564 = arith.constant 0 : i32
      %add3A_565 = arith.addi %add3A_564, %scan3A_558 : i32
      %swap3A = arith.constant 3 : i32
      %swap3A_566 = arith.index_cast %swap3A : i32 to index
      %swap3A_567 = arith.index_cast %add3A_565 : i32 to index
      %swap3A_568 = arith.constant 0 : index
      %swap3A_569 = tpu.vector_load %arg6[%swap3A_566, %swap3A_567, %swap3A_568] {strides = array<i32>} : memref<4x128x128xf32, #tpu.memory_space<vmem>>, vector<1x1x16xf32>,
      %swap3A_570 = vector.shape_cast %swap3A_569 : vector<1x1x16xf32> to vector<16xf32>
      %swap3A_571 = vector.shape_cast %convert_element_type3A : vector<16xf32> to vector<1x1x16xf32>
      tpu.vector_store %arg6[%swap3A_566, %swap3A_567, %swap3A_568], %swap3A_571 {strides = array<i32>} : memref<4x128x128xf32, #tpu.memory_space<vmem>>, vector<1x1x16xf32>,
      %add3A_572 = arith.constant 0 : i32
      %add3A_573 = arith.addi %add3A_572, %scan3A_558 : i32
      %get3A_574 = arith.index_cast %add3A_573 : i32 to index
      %get3A_575 = arith.constant 16 : index
      %get3A_576 = tpu.vector_load %arg5[%get3A_574, %get3A_575] {strides = array<i32>} : memref<128x128xi32, #tpu.memory_space<vmem>>, vector<1x16xi32>,
      %get3A_577 = vector.shape_cast %get3A_576 : vector<1x16xi32> to vector<16xi32>
      %convert_element_type3A_578 = arith.sitofp %get3A_577 : vector<16xi32> to vector<16xf32>
      %add3A_579 = arith.constant 0 : i32
      %add3A_580 = arith.addi %add3A_579, %scan3A_558 : i32
      %swap3A_581 = arith.constant 3 : i32
      %swap3A_582 = arith.index_cast %swap3A_581 : i32 to index
      %swap3A_583 = arith.index_cast %add3A_580 : i32 to index
      %swap3A_584 = arith.constant 16 : index
      %swap3A_585 = tpu.vector_load %arg6[%swap3A_582, %swap3A_583, %swap3A_584] {strides = array<i32>} : memref<4x128x128xf32, #tpu.memory_space<vmem>>, vector<1x1x16xf32>,
      %swap3A_586 = vector.shape_cast %swap3A_585 : vector<1x1x16xf32> to vector<16xf32>
      %swap3A_587 = vector.shape_cast %convert_element_type3A_578 : vector<16xf32> to vector<1x1x16xf32>
      tpu.vector_store %arg6[%swap3A_582, %swap3A_583, %swap3A_584], %swap3A_587 {strides = array<i32>} : memref<4x128x128xf32, #tpu.memory_space<vmem>>, vector<1x1x16xf32>,
      %add3A_588 = arith.constant 0 : i32
      %add3A_589 = arith.addi %add3A_588, %scan3A_558 : i32
      %get3A_590 = arith.index_cast %add3A_589 : i32 to index
      %get3A_591 = arith.constant 32 : index
      %get3A_592 = tpu.vector_load %arg5[%get3A_590, %get3A_591] {strides = array<i32>} : memref<128x128xi32, #tpu.memory_space<vmem>>, vector<1x16xi32>,
      %get3A_593 = vector.shape_cast %get3A_592 : vector<1x16xi32> to vector<16xi32>
      %convert_element_type3A_594 = arith.sitofp %get3A_593 : vector<16xi32> to vector<16xf32>
      %add3A_595 = arith.constant 0 : i32
      %add3A_596 = arith.addi %add3A_595, %scan3A_558 : i32
      %swap3A_597 = arith.constant 3 : i32
      %swap3A_598 = arith.index_cast %swap3A_597 : i32 to index
      %swap3A_599 = arith.index_cast %add3A_596 : i32 to index
      %swap3A_600 = arith.constant 32 : index
      %swap3A_601 = tpu.vector_load %arg6[%swap3A_598, %swap3A_599, %swap3A_600] {strides = array<i32>} : memref<4x128x128xf32, #tpu.memory_space<vmem>>, vector<1x1x16xf32>,
      %swap3A_602 = vector.shape_cast %swap3A_601 : vector<1x1x16xf32> to vector<16xf32>
      %swap3A_603 = vector.shape_cast %convert_element_type3A_594 : vector<16xf32> to vector<1x1x16xf32>
      tpu.vector_store %arg6[%swap3A_598, %swap3A_599, %swap3A_600], %swap3A_603 {strides = array<i32>} : memref<4x128x128xf32, #tpu.memory_space<vmem>>, vector<1x1x16xf32>,
      %add3A_604 = arith.constant 0 : i32
      %add3A_605 = arith.addi %add3A_604, %scan3A_558 : i32
      %get3A_606 = arith.index_cast %add3A_605 : i32 to index
      %get3A_607 = arith.constant 48 : index
      %get3A_608 = tpu.vector_load %arg5[%get3A_606, %get3A_607] {strides = array<i32>} : memref<128x128xi32, #tpu.memory_space<vmem>>, vector<1x16xi32>,
      %get3A_609 = vector.shape_cast %get3A_608 : vector<1x16xi32> to vector<16xi32>
      %convert_element_type3A_610 = arith.sitofp %get3A_609 : vector<16xi32> to vector<16xf32>
      %add3A_611 = arith.constant 0 : i32
      %add3A_612 = arith.addi %add3A_611, %scan3A_558 : i32
      %swap3A_613 = arith.constant 3 : i32
      %swap3A_614 = arith.index_cast %swap3A_613 : i32 to index
      %swap3A_615 = arith.index_cast %add3A_612 : i32 to index
      %swap3A_616 = arith.constant 48 : index
      %swap3A_617 = tpu.vector_load %arg6[%swap3A_614, %swap3A_615, %swap3A_616] {strides = array<i32>} : memref<4x128x128xf32, #tpu.memory_space<vmem>>, vector<1x1x16xf32>,
      %swap3A_618 = vector.shape_cast %swap3A_617 : vector<1x1x16xf32> to vector<16xf32>
      %swap3A_619 = vector.shape_cast %convert_element_type3A_610 : vector<16xf32> to vector<1x1x16xf32>
      tpu.vector_store %arg6[%swap3A_614, %swap3A_615, %swap3A_616], %swap3A_619 {strides = array<i32>} : memref<4x128x128xf32, #tpu.memory_space<vmem>>, vector<1x1x16xf32>,
      %add3A_620 = arith.constant 0 : i32
      %add3A_621 = arith.addi %add3A_620, %scan3A_558 : i32
      %get3A_622 = arith.index_cast %add3A_621 : i32 to index
      %get3A_623 = arith.constant 64 : index
      %get3A_624 = tpu.vector_load %arg5[%get3A_622, %get3A_623] {strides = array<i32>} : memref<128x128xi32, #tpu.memory_space<vmem>>, vector<1x16xi32>,
      %get3A_625 = vector.shape_cast %get3A_624 : vector<1x16xi32> to vector<16xi32>
      %convert_element_type3A_626 = arith.sitofp %get3A_625 : vector<16xi32> to vector<16xf32>
      %add3A_627 = arith.constant 0 : i32
      %add3A_628 = arith.addi %add3A_627, %scan3A_558 : i32
      %swap3A_629 = arith.constant 3 : i32
      %swap3A_630 = arith.index_cast %swap3A_629 : i32 to index
      %swap3A_631 = arith.index_cast %add3A_628 : i32 to index
      %swap3A_632 = arith.constant 64 : index
      %swap3A_633 = tpu.vector_load %arg6[%swap3A_630, %swap3A_631, %swap3A_632] {strides = array<i32>} : memref<4x128x128xf32, #tpu.memory_space<vmem>>, vector<1x1x16xf32>,
      %swap3A_634 = vector.shape_cast %swap3A_633 : vector<1x1x16xf32> to vector<16xf32>
      %swap3A_635 = vector.shape_cast %convert_element_type3A_626 : vector<16xf32> to vector<1x1x16xf32>
      tpu.vector_store %arg6[%swap3A_630, %swap3A_631, %swap3A_632], %swap3A_635 {strides = array<i32>} : memref<4x128x128xf32, #tpu.memory_space<vmem>>, vector<1x1x16xf32>,
      %add3A_636 = arith.constant 0 : i32
      %add3A_637 = arith.addi %add3A_636, %scan3A_558 : i32
      %get3A_638 = arith.index_cast %add3A_637 : i32 to index
      %get3A_639 = arith.constant 80 : index
      %get3A_640 = tpu.vector_load %arg5[%get3A_638, %get3A_639] {strides = array<i32>} : memref<128x128xi32, #tpu.memory_space<vmem>>, vector<1x16xi32>,
      %get3A_641 = vector.shape_cast %get3A_640 : vector<1x16xi32> to vector<16xi32>
      %convert_element_type3A_642 = arith.sitofp %get3A_641 : vector<16xi32> to vector<16xf32>
      %add3A_643 = arith.constant 0 : i32
      %add3A_644 = arith.addi %add3A_643, %scan3A_558 : i32
      %swap3A_645 = arith.constant 3 : i32
      %swap3A_646 = arith.index_cast %swap3A_645 : i32 to index
      %swap3A_647 = arith.index_cast %add3A_644 : i32 to index
      %swap3A_648 = arith.constant 80 : index
      %swap3A_649 = tpu.vector_load %arg6[%swap3A_646, %swap3A_647, %swap3A_648] {strides = array<i32>} : memref<4x128x128xf32, #tpu.memory_space<vmem>>, vector<1x1x16xf32>,
      %swap3A_650 = vector.shape_cast %swap3A_649 : vector<1x1x16xf32> to vector<16xf32>
      %swap3A_651 = vector.shape_cast %convert_element_type3A_642 : vector<16xf32> to vector<1x1x16xf32>
      tpu.vector_store %arg6[%swap3A_646, %swap3A_647, %swap3A_648], %swap3A_651 {strides = array<i32>} : memref<4x128x128xf32, #tpu.memory_space<vmem>>, vector<1x1x16xf32>,
      %add3A_652 = arith.constant 0 : i32
      %add3A_653 = arith.addi %add3A_652, %scan3A_558 : i32
      %get3A_654 = arith.index_cast %add3A_653 : i32 to index
      %get3A_655 = arith.constant 96 : index
      %get3A_656 = tpu.vector_load %arg5[%get3A_654, %get3A_655] {strides = array<i32>} : memref<128x128xi32, #tpu.memory_space<vmem>>, vector<1x16xi32>,
      %get3A_657 = vector.shape_cast %get3A_656 : vector<1x16xi32> to vector<16xi32>
      %convert_element_type3A_658 = arith.sitofp %get3A_657 : vector<16xi32> to vector<16xf32>
      %add3A_659 = arith.constant 0 : i32
      %add3A_660 = arith.addi %add3A_659, %scan3A_558 : i32
      %swap3A_661 = arith.constant 3 : i32
      %swap3A_662 = arith.index_cast %swap3A_661 : i32 to index
      %swap3A_663 = arith.index_cast %add3A_660 : i32 to index
      %swap3A_664 = arith.constant 96 : index
      %swap3A_665 = tpu.vector_load %arg6[%swap3A_662, %swap3A_663, %swap3A_664] {strides = array<i32>} : memref<4x128x128xf32, #tpu.memory_space<vmem>>, vector<1x1x16xf32>,
      %swap3A_666 = vector.shape_cast %swap3A_665 : vector<1x1x16xf32> to vector<16xf32>
      %swap3A_667 = vector.shape_cast %convert_element_type3A_658 : vector<16xf32> to vector<1x1x16xf32>
      tpu.vector_store %arg6[%swap3A_662, %swap3A_663, %swap3A_664], %swap3A_667 {strides = array<i32>} : memref<4x128x128xf32, #tpu.memory_space<vmem>>, vector<1x1x16xf32>,
      %add3A_668 = arith.constant 0 : i32
      %add3A_669 = arith.addi %add3A_668, %scan3A_558 : i32
      %get3A_670 = arith.index_cast %add3A_669 : i32 to index
      %get3A_671 = arith.constant 112 : index
      %get3A_672 = tpu.vector_load %arg5[%get3A_670, %get3A_671] {strides = array<i32>} : memref<128x128xi32, #tpu.memory_space<vmem>>, vector<1x16xi32>,
      %get3A_673 = vector.shape_cast %get3A_672 : vector<1x16xi32> to vector<16xi32>
      %convert_element_type3A_674 = arith.sitofp %get3A_673 : vector<16xi32> to vector<16xf32>
      %add3A_675 = arith.constant 0 : i32
      %add3A_676 = arith.addi %add3A_675, %scan3A_558 : i32
      %swap3A_677 = arith.constant 3 : i32
      %swap3A_678 = arith.index_cast %swap3A_677 : i32 to index
      %swap3A_679 = arith.index_cast %add3A_676 : i32 to index
      %swap3A_680 = arith.constant 112 : index
      %swap3A_681 = tpu.vector_load %arg6[%swap3A_678, %swap3A_679, %swap3A_680] {strides = array<i32>} : memref<4x128x128xf32, #tpu.memory_space<vmem>>, vector<1x1x16xf32>,
      %swap3A_682 = vector.shape_cast %swap3A_681 : vector<1x1x16xf32> to vector<16xf32>
      %swap3A_683 = vector.shape_cast %convert_element_type3A_674 : vector<16xf32> to vector<1x1x16xf32>
      tpu.vector_store %arg6[%swap3A_678, %swap3A_679, %swap3A_680], %swap3A_683 {strides = array<i32>} : memref<4x128x128xf32, #tpu.memory_space<vmem>>, vector<1x1x16xf32>,
    }
    %scan3A_130 = arith.constant 64 : i32
    %mul3A_131 = arith.constant 4 : i32
    %mul3A_132 = arith.muli %add3A, %mul3A_131 : i32
    %add3A_133 = arith.constant 3 : i32
    %add3A_134 = arith.addi %mul3A_132, %add3A_133 : i32
    %dma_start3A_135 = arith.constant 3 : i32
    %dma_start3A_136 = arith.constant 0 : i32
    %dma_start3A_137 = arith.constant 0 : i32
    %dma_start3A_138 = tpu.memref_slice %arg6[%dma_start3A_135, %dma_start3A_136, %dma_start3A_137] : memref<4x128x128xf32, #tpu.memory_space<vmem>> -> memref<1x64x128xf32, #tpu.memory_space<vmem>>
    %dma_start3A_139 = tpu.memref_squeeze %dma_start3A_138 : memref<1x64x128xf32, #tpu.memory_space<vmem>> -> memref<64x128xf32, #tpu.memory_space<vmem>>
    %dma_start3A_140 = arith.constant 0 : i32
    %dma_start3A_141 = tpu.memref_slice %arg5[%add3A_134, %dma_start3A_140] : memref<128x128xi32, #tpu.memory_space<vmem>> -> memref<1x64xi32, #tpu.memory_space<vmem>>
    %dma_start3A_142 = tpu.memref_squeeze %dma_start3A_141 : memref<1x64xi32, #tpu.memory_space<vmem>> -> memref<64xi32, #tpu.memory_space<vmem>>
    %dma_start3A_143 = arith.constant 0 : i32
    %dma_start3A_144 = arith.constant 0 : i32
    %dma_start3A_145 = tpu.memref_slice %arg3[%dma_start3A_143, %dma_start3A_144] : memref<1000000x128xf32, #tpu.memory_space<hbm>> -> memref<1000000x128xf32, #tpu.memory_space<hbm>>
    tpu.enqueue_indirect_dma source(%dma_start3A_145 : memref<1000000x128xf32, #tpu.memory_space<hbm>>) target(%dma_start3A_139 : memref<64x128xf32, #tpu.memory_space<vmem>>) offsets(%dma_start3A_142 : memref<64xi32, #tpu.memory_space<vmem>>) semaphore(%arg13 : memref<!tpu.dma_semaphore, #tpu.memory_space<semaphore_mem>>) {add = true}
    %scan3A_146 = arith.constant 0 : i32
    %scan3A_147 = arith.constant 0 : i32
    %scan3A_148 = arith.constant 64 : i32
    %scan3A_149 = arith.addi %scan3A_147, %scan3A_148 : i32
    %scan3A_150 = arith.constant 1 : i32
    scf.for %scan3A_558 = %scan3A_147 to %scan3A_149 step %scan3A_150  : i32 {
      %add3A_559 = arith.constant 64 : i32
      %add3A_560 = arith.addi %add3A_559, %scan3A_558 : i32
      %get3A = arith.index_cast %add3A_560 : i32 to index
      %get3A_561 = arith.constant 0 : index
      %get3A_562 = tpu.vector_load %arg5[%get3A, %get3A_561] {strides = array<i32>} : memref<128x128xi32, #tpu.memory_space<vmem>>, vector<1x16xi32>,
      %get3A_563 = vector.shape_cast %get3A_562 : vector<1x16xi32> to vector<16xi32>
      %convert_element_type3A = arith.sitofp %get3A_563 : vector<16xi32> to vector<16xf32>
      %add3A_564 = arith.constant 64 : i32
      %add3A_565 = arith.addi %add3A_564, %scan3A_558 : i32
      %swap3A = arith.constant 3 : i32
      %swap3A_566 = arith.index_cast %swap3A : i32 to index
      %swap3A_567 = arith.index_cast %add3A_565 : i32 to index
      %swap3A_568 = arith.constant 0 : index
      %swap3A_569 = tpu.vector_load %arg6[%swap3A_566, %swap3A_567, %swap3A_568] {strides = array<i32>} : memref<4x128x128xf32, #tpu.memory_space<vmem>>, vector<1x1x16xf32>,
      %swap3A_570 = vector.shape_cast %swap3A_569 : vector<1x1x16xf32> to vector<16xf32>
      %swap3A_571 = vector.shape_cast %convert_element_type3A : vector<16xf32> to vector<1x1x16xf32>
      tpu.vector_store %arg6[%swap3A_566, %swap3A_567, %swap3A_568], %swap3A_571 {strides = array<i32>} : memref<4x128x128xf32, #tpu.memory_space<vmem>>, vector<1x1x16xf32>,
      %add3A_572 = arith.constant 64 : i32
      %add3A_573 = arith.addi %add3A_572, %scan3A_558 : i32
      %get3A_574 = arith.index_cast %add3A_573 : i32 to index
      %get3A_575 = arith.constant 16 : index
      %get3A_576 = tpu.vector_load %arg5[%get3A_574, %get3A_575] {strides = array<i32>} : memref<128x128xi32, #tpu.memory_space<vmem>>, vector<1x16xi32>,
      %get3A_577 = vector.shape_cast %get3A_576 : vector<1x16xi32> to vector<16xi32>
      %convert_element_type3A_578 = arith.sitofp %get3A_577 : vector<16xi32> to vector<16xf32>
      %add3A_579 = arith.constant 64 : i32
      %add3A_580 = arith.addi %add3A_579, %scan3A_558 : i32
      %swap3A_581 = arith.constant 3 : i32
      %swap3A_582 = arith.index_cast %swap3A_581 : i32 to index
      %swap3A_583 = arith.index_cast %add3A_580 : i32 to index
      %swap3A_584 = arith.constant 16 : index
      %swap3A_585 = tpu.vector_load %arg6[%swap3A_582, %swap3A_583, %swap3A_584] {strides = array<i32>} : memref<4x128x128xf32, #tpu.memory_space<vmem>>, vector<1x1x16xf32>,
      %swap3A_586 = vector.shape_cast %swap3A_585 : vector<1x1x16xf32> to vector<16xf32>
      %swap3A_587 = vector.shape_cast %convert_element_type3A_578 : vector<16xf32> to vector<1x1x16xf32>
      tpu.vector_store %arg6[%swap3A_582, %swap3A_583, %swap3A_584], %swap3A_587 {strides = array<i32>} : memref<4x128x128xf32, #tpu.memory_space<vmem>>, vector<1x1x16xf32>,
      %add3A_588 = arith.constant 64 : i32
      %add3A_589 = arith.addi %add3A_588, %scan3A_558 : i32
      %get3A_590 = arith.index_cast %add3A_589 : i32 to index
      %get3A_591 = arith.constant 32 : index
      %get3A_592 = tpu.vector_load %arg5[%get3A_590, %get3A_591] {strides = array<i32>} : memref<128x128xi32, #tpu.memory_space<vmem>>, vector<1x16xi32>,
      %get3A_593 = vector.shape_cast %get3A_592 : vector<1x16xi32> to vector<16xi32>
      %convert_element_type3A_594 = arith.sitofp %get3A_593 : vector<16xi32> to vector<16xf32>
      %add3A_595 = arith.constant 64 : i32
      %add3A_596 = arith.addi %add3A_595, %scan3A_558 : i32
      %swap3A_597 = arith.constant 3 : i32
      %swap3A_598 = arith.index_cast %swap3A_597 : i32 to index
      %swap3A_599 = arith.index_cast %add3A_596 : i32 to index
      %swap3A_600 = arith.constant 32 : index
      %swap3A_601 = tpu.vector_load %arg6[%swap3A_598, %swap3A_599, %swap3A_600] {strides = array<i32>} : memref<4x128x128xf32, #tpu.memory_space<vmem>>, vector<1x1x16xf32>,
      %swap3A_602 = vector.shape_cast %swap3A_601 : vector<1x1x16xf32> to vector<16xf32>
      %swap3A_603 = vector.shape_cast %convert_element_type3A_594 : vector<16xf32> to vector<1x1x16xf32>
      tpu.vector_store %arg6[%swap3A_598, %swap3A_599, %swap3A_600], %swap3A_603 {strides = array<i32>} : memref<4x128x128xf32, #tpu.memory_space<vmem>>, vector<1x1x16xf32>,
      %add3A_604 = arith.constant 64 : i32
      %add3A_605 = arith.addi %add3A_604, %scan3A_558 : i32
      %get3A_606 = arith.index_cast %add3A_605 : i32 to index
      %get3A_607 = arith.constant 48 : index
      %get3A_608 = tpu.vector_load %arg5[%get3A_606, %get3A_607] {strides = array<i32>} : memref<128x128xi32, #tpu.memory_space<vmem>>, vector<1x16xi32>,
      %get3A_609 = vector.shape_cast %get3A_608 : vector<1x16xi32> to vector<16xi32>
      %convert_element_type3A_610 = arith.sitofp %get3A_609 : vector<16xi32> to vector<16xf32>
      %add3A_611 = arith.constant 64 : i32
      %add3A_612 = arith.addi %add3A_611, %scan3A_558 : i32
      %swap3A_613 = arith.constant 3 : i32
      %swap3A_614 = arith.index_cast %swap3A_613 : i32 to index
      %swap3A_615 = arith.index_cast %add3A_612 : i32 to index
      %swap3A_616 = arith.constant 48 : index
      %swap3A_617 = tpu.vector_load %arg6[%swap3A_614, %swap3A_615, %swap3A_616] {strides = array<i32>} : memref<4x128x128xf32, #tpu.memory_space<vmem>>, vector<1x1x16xf32>,
      %swap3A_618 = vector.shape_cast %swap3A_617 : vector<1x1x16xf32> to vector<16xf32>
      %swap3A_619 = vector.shape_cast %convert_element_type3A_610 : vector<16xf32> to vector<1x1x16xf32>
      tpu.vector_store %arg6[%swap3A_614, %swap3A_615, %swap3A_616], %swap3A_619 {strides = array<i32>} : memref<4x128x128xf32, #tpu.memory_space<vmem>>, vector<1x1x16xf32>,
      %add3A_620 = arith.constant 64 : i32
      %add3A_621 = arith.addi %add3A_620, %scan3A_558 : i32
      %get3A_622 = arith.index_cast %add3A_621 : i32 to index
      %get3A_623 = arith.constant 64 : index
      %get3A_624 = tpu.vector_load %arg5[%get3A_622, %get3A_623] {strides = array<i32>} : memref<128x128xi32, #tpu.memory_space<vmem>>, vector<1x16xi32>,
      %get3A_625 = vector.shape_cast %get3A_624 : vector<1x16xi32> to vector<16xi32>
      %convert_element_type3A_626 = arith.sitofp %get3A_625 : vector<16xi32> to vector<16xf32>
      %add3A_627 = arith.constant 64 : i32
      %add3A_628 = arith.addi %add3A_627, %scan3A_558 : i32
      %swap3A_629 = arith.constant 3 : i32
      %swap3A_630 = arith.index_cast %swap3A_629 : i32 to index
      %swap3A_631 = arith.index_cast %add3A_628 : i32 to index
      %swap3A_632 = arith.constant 64 : index
      %swap3A_633 = tpu.vector_load %arg6[%swap3A_630, %swap3A_631, %swap3A_632] {strides = array<i32>} : memref<4x128x128xf32, #tpu.memory_space<vmem>>, vector<1x1x16xf32>,
      %swap3A_634 = vector.shape_cast %swap3A_633 : vector<1x1x16xf32> to vector<16xf32>
      %swap3A_635 = vector.shape_cast %convert_element_type3A_626 : vector<16xf32> to vector<1x1x16xf32>
      tpu.vector_store %arg6[%swap3A_630, %swap3A_631, %swap3A_632], %swap3A_635 {strides = array<i32>} : memref<4x128x128xf32, #tpu.memory_space<vmem>>, vector<1x1x16xf32>,
      %add3A_636 = arith.constant 64 : i32
      %add3A_637 = arith.addi %add3A_636, %scan3A_558 : i32
      %get3A_638 = arith.index_cast %add3A_637 : i32 to index
      %get3A_639 = arith.constant 80 : index
      %get3A_640 = tpu.vector_load %arg5[%get3A_638, %get3A_639] {strides = array<i32>} : memref<128x128xi32, #tpu.memory_space<vmem>>, vector<1x16xi32>,
      %get3A_641 = vector.shape_cast %get3A_640 : vector<1x16xi32> to vector<16xi32>
      %convert_element_type3A_642 = arith.sitofp %get3A_641 : vector<16xi32> to vector<16xf32>
      %add3A_643 = arith.constant 64 : i32
      %add3A_644 = arith.addi %add3A_643, %scan3A_558 : i32
      %swap3A_645 = arith.constant 3 : i32
      %swap3A_646 = arith.index_cast %swap3A_645 : i32 to index
      %swap3A_647 = arith.index_cast %add3A_644 : i32 to index
      %swap3A_648 = arith.constant 80 : index
      %swap3A_649 = tpu.vector_load %arg6[%swap3A_646, %swap3A_647, %swap3A_648] {strides = array<i32>} : memref<4x128x128xf32, #tpu.memory_space<vmem>>, vector<1x1x16xf32>,
      %swap3A_650 = vector.shape_cast %swap3A_649 : vector<1x1x16xf32> to vector<16xf32>
      %swap3A_651 = vector.shape_cast %convert_element_type3A_642 : vector<16xf32> to vector<1x1x16xf32>
      tpu.vector_store %arg6[%swap3A_646, %swap3A_647, %swap3A_648], %swap3A_651 {strides = array<i32>} : memref<4x128x128xf32, #tpu.memory_space<vmem>>, vector<1x1x16xf32>,
      %add3A_652 = arith.constant 64 : i32
      %add3A_653 = arith.addi %add3A_652, %scan3A_558 : i32
      %get3A_654 = arith.index_cast %add3A_653 : i32 to index
      %get3A_655 = arith.constant 96 : index
      %get3A_656 = tpu.vector_load %arg5[%get3A_654, %get3A_655] {strides = array<i32>} : memref<128x128xi32, #tpu.memory_space<vmem>>, vector<1x16xi32>,
      %get3A_657 = vector.shape_cast %get3A_656 : vector<1x16xi32> to vector<16xi32>
      %convert_element_type3A_658 = arith.sitofp %get3A_657 : vector<16xi32> to vector<16xf32>
      %add3A_659 = arith.constant 64 : i32
      %add3A_660 = arith.addi %add3A_659, %scan3A_558 : i32
      %swap3A_661 = arith.constant 3 : i32
      %swap3A_662 = arith.index_cast %swap3A_661 : i32 to index
      %swap3A_663 = arith.index_cast %add3A_660 : i32 to index
      %swap3A_664 = arith.constant 96 : index
      %swap3A_665 = tpu.vector_load %arg6[%swap3A_662, %swap3A_663, %swap3A_664] {strides = array<i32>} : memref<4x128x128xf32, #tpu.memory_space<vmem>>, vector<1x1x16xf32>,
      %swap3A_666 = vector.shape_cast %swap3A_665 : vector<1x1x16xf32> to vector<16xf32>
      %swap3A_667 = vector.shape_cast %convert_element_type3A_658 : vector<16xf32> to vector<1x1x16xf32>
      tpu.vector_store %arg6[%swap3A_662, %swap3A_663, %swap3A_664], %swap3A_667 {strides = array<i32>} : memref<4x128x128xf32, #tpu.memory_space<vmem>>, vector<1x1x16xf32>,
      %add3A_668 = arith.constant 64 : i32
      %add3A_669 = arith.addi %add3A_668, %scan3A_558 : i32
      %get3A_670 = arith.index_cast %add3A_669 : i32 to index
      %get3A_671 = arith.constant 112 : index
      %get3A_672 = tpu.vector_load %arg5[%get3A_670, %get3A_671] {strides = array<i32>} : memref<128x128xi32, #tpu.memory_space<vmem>>, vector<1x16xi32>,
      %get3A_673 = vector.shape_cast %get3A_672 : vector<1x16xi32> to vector<16xi32>
      %convert_element_type3A_674 = arith.sitofp %get3A_673 : vector<16xi32> to vector<16xf32>
      %add3A_675 = arith.constant 64 : i32
      %add3A_676 = arith.addi %add3A_675, %scan3A_558 : i32
      %swap3A_677 = arith.constant 3 : i32
      %swap3A_678 = arith.index_cast %swap3A_677 : i32 to index
      %swap3A_679 = arith.index_cast %add3A_676 : i32 to index
      %swap3A_680 = arith.constant 112 : index
      %swap3A_681 = tpu.vector_load %arg6[%swap3A_678, %swap3A_679, %swap3A_680] {strides = array<i32>} : memref<4x128x128xf32, #tpu.memory_space<vmem>>, vector<1x1x16xf32>,
      %swap3A_682 = vector.shape_cast %swap3A_681 : vector<1x1x16xf32> to vector<16xf32>
      %swap3A_683 = vector.shape_cast %convert_element_type3A_674 : vector<16xf32> to vector<1x1x16xf32>
      tpu.vector_store %arg6[%swap3A_678, %swap3A_679, %swap3A_680], %swap3A_683 {strides = array<i32>} : memref<4x128x128xf32, #tpu.memory_space<vmem>>, vector<1x1x16xf32>,
    }
    %scan3A_151 = arith.constant 64 : i32
    %mul3A_152 = arith.constant 4 : i32
    %mul3A_153 = arith.muli %add3A, %mul3A_152 : i32
    %add3A_154 = arith.constant 3 : i32
    %add3A_155 = arith.addi %mul3A_153, %add3A_154 : i32
    %dma_start3A_156 = arith.constant 3 : i32
    %dma_start3A_157 = arith.constant 64 : i32
    %dma_start3A_158 = arith.constant 0 : i32
    %dma_start3A_159 = tpu.memref_slice %arg6[%dma_start3A_156, %dma_start3A_157, %dma_start3A_158] : memref<4x128x128xf32, #tpu.memory_space<vmem>> -> memref<1x64x128xf32, #tpu.memory_space<vmem>>
    %dma_start3A_160 = tpu.memref_squeeze %dma_start3A_159 : memref<1x64x128xf32, #tpu.memory_space<vmem>> -> memref<64x128xf32, #tpu.memory_space<vmem>>
    %dma_start3A_161 = arith.constant 64 : i32
    %dma_start3A_162 = tpu.memref_slice %arg5[%add3A_155, %dma_start3A_161] : memref<128x128xi32, #tpu.memory_space<vmem>> -> memref<1x64xi32, #tpu.memory_space<vmem>>
    %dma_start3A_163 = tpu.memref_squeeze %dma_start3A_162 : memref<1x64xi32, #tpu.memory_space<vmem>> -> memref<64xi32, #tpu.memory_space<vmem>>
    %dma_start3A_164 = arith.constant 0 : i32
    %dma_start3A_165 = arith.constant 0 : i32
    %dma_start3A_166 = tpu.memref_slice %arg3[%dma_start3A_164, %dma_start3A_165] : memref<1000000x128xf32, #tpu.memory_space<hbm>> -> memref<1000000x128xf32, #tpu.memory_space<hbm>>
    tpu.enqueue_indirect_dma source(%dma_start3A_166 : memref<1000000x128xf32, #tpu.memory_space<hbm>>) target(%dma_start3A_160 : memref<64x128xf32, #tpu.memory_space<vmem>>) offsets(%dma_start3A_163 : memref<64xi32, #tpu.memory_space<vmem>>) semaphore(%arg14 : memref<!tpu.dma_semaphore, #tpu.memory_space<semaphore_mem>>) {add = true}
    %dma_wait3A = arith.constant 0 : i32
    %dma_wait3A_167 = arith.constant 0 : i32
    %dma_wait3A_168 = arith.constant 0 : i32
    %dma_wait3A_169 = tpu.memref_slice %arg6[%dma_wait3A, %dma_wait3A_167, %dma_wait3A_168] : memref<4x128x128xf32, #tpu.memory_space<vmem>> -> memref<1x64x128xf32, #tpu.memory_space<vmem>>
    %dma_wait3A_170 = tpu.memref_squeeze %dma_wait3A_169 : memref<1x64x128xf32, #tpu.memory_space<vmem>> -> memref<64x128xf32, #tpu.memory_space<vmem>>
    %dma_wait3A_171 = arith.constant 0 : i32
    %dma_wait3A_172 = tpu.memref_slice %arg5[%add3A_9, %dma_wait3A_171] : memref<128x128xi32, #tpu.memory_space<vmem>> -> memref<1x64xi32, #tpu.memory_space<vmem>>
    %dma_wait3A_173 = tpu.memref_squeeze %dma_wait3A_172 : memref<1x64xi32, #tpu.memory_space<vmem>> -> memref<64xi32, #tpu.memory_space<vmem>>
    %dma_wait3A_174 = arith.constant 0 : i32
    %dma_wait3A_175 = arith.constant 0 : i32
    %dma_wait3A_176 = tpu.memref_slice %arg3[%dma_wait3A_174, %dma_wait3A_175] : memref<1000000x128xf32, #tpu.memory_space<hbm>> -> memref<1000000x128xf32, #tpu.memory_space<hbm>>
    tpu.wait_indirect_dma semaphore(%arg7 : memref<!tpu.dma_semaphore, #tpu.memory_space<semaphore_mem>>) src(%dma_wait3A_176 : memref<1000000x128xf32, #tpu.memory_space<hbm>>) dst(%dma_wait3A_170 : memref<64x128xf32, #tpu.memory_space<vmem>>)
    %mul3A_177 = arith.constant 4 : i32
    %mul3A_178 = arith.muli %add3A, %mul3A_177 : i32
    %add3A_179 = arith.constant 0 : i32
    %add3A_180 = arith.addi %mul3A_178, %add3A_179 : i32
    %dma_start3A_181 = arith.constant 0 : i32
    %dma_start3A_182 = arith.constant 0 : i32
    %dma_start3A_183 = arith.constant 0 : i32
    %dma_start3A_184 = tpu.memref_slice %arg6[%dma_start3A_181, %dma_start3A_182, %dma_start3A_183] : memref<4x128x128xf32, #tpu.memory_space<vmem>> -> memref<1x64x128xf32, #tpu.memory_space<vmem>>
    %dma_start3A_185 = tpu.memref_squeeze %dma_start3A_184 : memref<1x64x128xf32, #tpu.memory_space<vmem>> -> memref<64x128xf32, #tpu.memory_space<vmem>>
    %dma_start3A_186 = arith.constant 0 : i32
    %dma_start3A_187 = arith.constant 0 : i32
    %dma_start3A_188 = tpu.memref_slice %arg4[%add3A_180, %dma_start3A_186, %dma_start3A_187] : memref<128x128x128xf32, #tpu.memory_space<hbm>> -> memref<1x64x128xf32, #tpu.memory_space<hbm>>
    %dma_start3A_189 = tpu.memref_squeeze %dma_start3A_188 : memref<1x64x128xf32, #tpu.memory_space<hbm>> -> memref<64x128xf32, #tpu.memory_space<hbm>>
    %dma_start3A_190 = arith.constant 0 : i32
    %dma_start3A_191 = arith.constant 0 : i32
    %dma_start3A_192 = tpu.memref_slice %arg4[%add3A_180, %dma_start3A_190, %dma_start3A_191] : memref<128x128x128xf32, #tpu.memory_space<hbm>> -> memref<1x64x128xf32, #tpu.memory_space<hbm>>
    %dma_start3A_193 = tpu.memref_squeeze %dma_start3A_192 : memref<1x64x128xf32, #tpu.memory_space<hbm>> -> memref<64x128xf32, #tpu.memory_space<hbm>>
    %dma_start3A_194 = arith.constant 0 : i32
    %dma_start3A_195 = arith.constant 0 : i32
    %dma_start3A_196 = tpu.memref_slice %arg6[%dma_start3A_181, %dma_start3A_194, %dma_start3A_195] : memref<4x128x128xf32, #tpu.memory_space<vmem>> -> memref<1x64x128xf32, #tpu.memory_space<vmem>>
    %dma_start3A_197 = tpu.memref_squeeze %dma_start3A_196 : memref<1x64x128xf32, #tpu.memory_space<vmem>> -> memref<64x128xf32, #tpu.memory_space<vmem>>
    tpu.enqueue_dma source(%dma_start3A_197 : memref<64x128xf32, #tpu.memory_space<vmem>>) target(%dma_start3A_193 : memref<64x128xf32, #tpu.memory_space<hbm>>) target_semaphore(%arg15 : memref<!tpu.dma_semaphore, #tpu.memory_space<semaphore_mem>>)
    %dma_wait3A_198 = arith.constant 0 : i32
    %dma_wait3A_199 = arith.constant 64 : i32
    %dma_wait3A_200 = arith.constant 0 : i32
    %dma_wait3A_201 = tpu.memref_slice %arg6[%dma_wait3A_198, %dma_wait3A_199, %dma_wait3A_200] : memref<4x128x128xf32, #tpu.memory_space<vmem>> -> memref<1x64x128xf32, #tpu.memory_space<vmem>>
    %dma_wait3A_202 = tpu.memref_squeeze %dma_wait3A_201 : memref<1x64x128xf32, #tpu.memory_space<vmem>> -> memref<64x128xf32, #tpu.memory_space<vmem>>
    %dma_wait3A_203 = arith.constant 64 : i32
    %dma_wait3A_204 = tpu.memref_slice %arg5[%add3A_29, %dma_wait3A_203] : memref<128x128xi32, #tpu.memory_space<vmem>> -> memref<1x64xi32, #tpu.memory_space<vmem>>
    %dma_wait3A_205 = tpu.memref_squeeze %dma_wait3A_204 : memref<1x64xi32, #tpu.memory_space<vmem>> -> memref<64xi32, #tpu.memory_space<vmem>>
    %dma_wait3A_206 = arith.constant 0 : i32
    %dma_wait3A_207 = arith.constant 0 : i32
    %dma_wait3A_208 = tpu.memref_slice %arg3[%dma_wait3A_206, %dma_wait3A_207] : memref<1000000x128xf32, #tpu.memory_space<hbm>> -> memref<1000000x128xf32, #tpu.memory_space<hbm>>
    tpu.wait_indirect_dma semaphore(%arg8 : memref<!tpu.dma_semaphore, #tpu.memory_space<semaphore_mem>>) src(%dma_wait3A_208 : memref<1000000x128xf32, #tpu.memory_space<hbm>>) dst(%dma_wait3A_202 : memref<64x128xf32, #tpu.memory_space<vmem>>)
    %mul3A_209 = arith.constant 4 : i32
    %mul3A_210 = arith.muli %add3A, %mul3A_209 : i32
    %add3A_211 = arith.constant 0 : i32
    %add3A_212 = arith.addi %mul3A_210, %add3A_211 : i32
    %dma_start3A_213 = arith.constant 0 : i32
    %dma_start3A_214 = arith.constant 64 : i32
    %dma_start3A_215 = arith.constant 0 : i32
    %dma_start3A_216 = tpu.memref_slice %arg6[%dma_start3A_213, %dma_start3A_214, %dma_start3A_215] : memref<4x128x128xf32, #tpu.memory_space<vmem>> -> memref<1x64x128xf32, #tpu.memory_space<vmem>>
    %dma_start3A_217 = tpu.memref_squeeze %dma_start3A_216 : memref<1x64x128xf32, #tpu.memory_space<vmem>> -> memref<64x128xf32, #tpu.memory_space<vmem>>
    %dma_start3A_218 = arith.constant 64 : i32
    %dma_start3A_219 = arith.constant 0 : i32
    %dma_start3A_220 = tpu.memref_slice %arg4[%add3A_212, %dma_start3A_218, %dma_start3A_219] : memref<128x128x128xf32, #tpu.memory_space<hbm>> -> memref<1x64x128xf32, #tpu.memory_space<hbm>>
    %dma_start3A_221 = tpu.memref_squeeze %dma_start3A_220 : memref<1x64x128xf32, #tpu.memory_space<hbm>> -> memref<64x128xf32, #tpu.memory_space<hbm>>
    %dma_start3A_222 = arith.constant 64 : i32
    %dma_start3A_223 = arith.constant 0 : i32
    %dma_start3A_224 = tpu.memref_slice %arg4[%add3A_212, %dma_start3A_222, %dma_start3A_223] : memref<128x128x128xf32, #tpu.memory_space<hbm>> -> memref<1x64x128xf32, #tpu.memory_space<hbm>>
    %dma_start3A_225 = tpu.memref_squeeze %dma_start3A_224 : memref<1x64x128xf32, #tpu.memory_space<hbm>> -> memref<64x128xf32, #tpu.memory_space<hbm>>
    %dma_start3A_226 = arith.constant 64 : i32
    %dma_start3A_227 = arith.constant 0 : i32
    %dma_start3A_228 = tpu.memref_slice %arg6[%dma_start3A_213, %dma_start3A_226, %dma_start3A_227] : memref<4x128x128xf32, #tpu.memory_space<vmem>> -> memref<1x64x128xf32, #tpu.memory_space<vmem>>
    %dma_start3A_229 = tpu.memref_squeeze %dma_start3A_228 : memref<1x64x128xf32, #tpu.memory_space<vmem>> -> memref<64x128xf32, #tpu.memory_space<vmem>>
    tpu.enqueue_dma source(%dma_start3A_229 : memref<64x128xf32, #tpu.memory_space<vmem>>) target(%dma_start3A_225 : memref<64x128xf32, #tpu.memory_space<hbm>>) target_semaphore(%arg16 : memref<!tpu.dma_semaphore, #tpu.memory_space<semaphore_mem>>)
    %dma_wait3A_230 = arith.constant 1 : i32
    %dma_wait3A_231 = arith.constant 0 : i32
    %dma_wait3A_232 = arith.constant 0 : i32
    %dma_wait3A_233 = tpu.memref_slice %arg6[%dma_wait3A_230, %dma_wait3A_231, %dma_wait3A_232] : memref<4x128x128xf32, #tpu.memory_space<vmem>> -> memref<1x64x128xf32, #tpu.memory_space<vmem>>
    %dma_wait3A_234 = tpu.memref_squeeze %dma_wait3A_233 : memref<1x64x128xf32, #tpu.memory_space<vmem>> -> memref<64x128xf32, #tpu.memory_space<vmem>>
    %dma_wait3A_235 = arith.constant 0 : i32
    %dma_wait3A_236 = tpu.memref_slice %arg5[%add3A_50, %dma_wait3A_235] : memref<128x128xi32, #tpu.memory_space<vmem>> -> memref<1x64xi32, #tpu.memory_space<vmem>>
    %dma_wait3A_237 = tpu.memref_squeeze %dma_wait3A_236 : memref<1x64xi32, #tpu.memory_space<vmem>> -> memref<64xi32, #tpu.memory_space<vmem>>
    %dma_wait3A_238 = arith.constant 0 : i32
    %dma_wait3A_239 = arith.constant 0 : i32
    %dma_wait3A_240 = tpu.memref_slice %arg3[%dma_wait3A_238, %dma_wait3A_239] : memref<1000000x128xf32, #tpu.memory_space<hbm>> -> memref<1000000x128xf32, #tpu.memory_space<hbm>>
    tpu.wait_indirect_dma semaphore(%arg9 : memref<!tpu.dma_semaphore, #tpu.memory_space<semaphore_mem>>) src(%dma_wait3A_240 : memref<1000000x128xf32, #tpu.memory_space<hbm>>) dst(%dma_wait3A_234 : memref<64x128xf32, #tpu.memory_space<vmem>>)
    %mul3A_241 = arith.constant 4 : i32
    %mul3A_242 = arith.muli %add3A, %mul3A_241 : i32
    %add3A_243 = arith.constant 1 : i32
    %add3A_244 = arith.addi %mul3A_242, %add3A_243 : i32
    %dma_start3A_245 = arith.constant 1 : i32
    %dma_start3A_246 = arith.constant 0 : i32
    %dma_start3A_247 = arith.constant 0 : i32
    %dma_start3A_248 = tpu.memref_slice %arg6[%dma_start3A_245, %dma_start3A_246, %dma_start3A_247] : memref<4x128x128xf32, #tpu.memory_space<vmem>> -> memref<1x64x128xf32, #tpu.memory_space<vmem>>
    %dma_start3A_249 = tpu.memref_squeeze %dma_start3A_248 : memref<1x64x128xf32, #tpu.memory_space<vmem>> -> memref<64x128xf32, #tpu.memory_space<vmem>>
    %dma_start3A_250 = arith.constant 0 : i32
    %dma_start3A_251 = arith.constant 0 : i32
    %dma_start3A_252 = tpu.memref_slice %arg4[%add3A_244, %dma_start3A_250, %dma_start3A_251] : memref<128x128x128xf32, #tpu.memory_space<hbm>> -> memref<1x64x128xf32, #tpu.memory_space<hbm>>
    %dma_start3A_253 = tpu.memref_squeeze %dma_start3A_252 : memref<1x64x128xf32, #tpu.memory_space<hbm>> -> memref<64x128xf32, #tpu.memory_space<hbm>>
    %dma_start3A_254 = arith.constant 0 : i32
    %dma_start3A_255 = arith.constant 0 : i32
    %dma_start3A_256 = tpu.memref_slice %arg4[%add3A_244, %dma_start3A_254, %dma_start3A_255] : memref<128x128x128xf32, #tpu.memory_space<hbm>> -> memref<1x64x128xf32, #tpu.memory_space<hbm>>
    %dma_start3A_257 = tpu.memref_squeeze %dma_start3A_256 : memref<1x64x128xf32, #tpu.memory_space<hbm>> -> memref<64x128xf32, #tpu.memory_space<hbm>>
    %dma_start3A_258 = arith.constant 0 : i32
    %dma_start3A_259 = arith.constant 0 : i32
    %dma_start3A_260 = tpu.memref_slice %arg6[%dma_start3A_245, %dma_start3A_258, %dma_start3A_259] : memref<4x128x128xf32, #tpu.memory_space<vmem>> -> memref<1x64x128xf32, #tpu.memory_space<vmem>>
    %dma_start3A_261 = tpu.memref_squeeze %dma_start3A_260 : memref<1x64x128xf32, #tpu.memory_space<vmem>> -> memref<64x128xf32, #tpu.memory_space<vmem>>
    tpu.enqueue_dma source(%dma_start3A_261 : memref<64x128xf32, #tpu.memory_space<vmem>>) target(%dma_start3A_257 : memref<64x128xf32, #tpu.memory_space<hbm>>) target_semaphore(%arg17 : memref<!tpu.dma_semaphore, #tpu.memory_space<semaphore_mem>>)
    %dma_wait3A_262 = arith.constant 1 : i32
    %dma_wait3A_263 = arith.constant 64 : i32
    %dma_wait3A_264 = arith.constant 0 : i32
    %dma_wait3A_265 = tpu.memref_slice %arg6[%dma_wait3A_262, %dma_wait3A_263, %dma_wait3A_264] : memref<4x128x128xf32, #tpu.memory_space<vmem>> -> memref<1x64x128xf32, #tpu.memory_space<vmem>>
    %dma_wait3A_266 = tpu.memref_squeeze %dma_wait3A_265 : memref<1x64x128xf32, #tpu.memory_space<vmem>> -> memref<64x128xf32, #tpu.memory_space<vmem>>
    %dma_wait3A_267 = arith.constant 64 : i32
    %dma_wait3A_268 = tpu.memref_slice %arg5[%add3A_71, %dma_wait3A_267] : memref<128x128xi32, #tpu.memory_space<vmem>> -> memref<1x64xi32, #tpu.memory_space<vmem>>
    %dma_wait3A_269 = tpu.memref_squeeze %dma_wait3A_268 : memref<1x64xi32, #tpu.memory_space<vmem>> -> memref<64xi32, #tpu.memory_space<vmem>>
    %dma_wait3A_270 = arith.constant 0 : i32
    %dma_wait3A_271 = arith.constant 0 : i32
    %dma_wait3A_272 = tpu.memref_slice %arg3[%dma_wait3A_270, %dma_wait3A_271] : memref<1000000x128xf32, #tpu.memory_space<hbm>> -> memref<1000000x128xf32, #tpu.memory_space<hbm>>
    tpu.wait_indirect_dma semaphore(%arg10 : memref<!tpu.dma_semaphore, #tpu.memory_space<semaphore_mem>>) src(%dma_wait3A_272 : memref<1000000x128xf32, #tpu.memory_space<hbm>>) dst(%dma_wait3A_266 : memref<64x128xf32, #tpu.memory_space<vmem>>)
    %mul3A_273 = arith.constant 4 : i32
    %mul3A_274 = arith.muli %add3A, %mul3A_273 : i32
    %add3A_275 = arith.constant 1 : i32
    %add3A_276 = arith.addi %mul3A_274, %add3A_275 : i32
    %dma_start3A_277 = arith.constant 1 : i32
    %dma_start3A_278 = arith.constant 64 : i32
    %dma_start3A_279 = arith.constant 0 : i32
    %dma_start3A_280 = tpu.memref_slice %arg6[%dma_start3A_277, %dma_start3A_278, %dma_start3A_279] : memref<4x128x128xf32, #tpu.memory_space<vmem>> -> memref<1x64x128xf32, #tpu.memory_space<vmem>>
    %dma_start3A_281 = tpu.memref_squeeze %dma_start3A_280 : memref<1x64x128xf32, #tpu.memory_space<vmem>> -> memref<64x128xf32, #tpu.memory_space<vmem>>
    %dma_start3A_282 = arith.constant 64 : i32
    %dma_start3A_283 = arith.constant 0 : i32
    %dma_start3A_284 = tpu.memref_slice %arg4[%add3A_276, %dma_start3A_282, %dma_start3A_283] : memref<128x128x128xf32, #tpu.memory_space<hbm>> -> memref<1x64x128xf32, #tpu.memory_space<hbm>>
    %dma_start3A_285 = tpu.memref_squeeze %dma_start3A_284 : memref<1x64x128xf32, #tpu.memory_space<hbm>> -> memref<64x128xf32, #tpu.memory_space<hbm>>
    %dma_start3A_286 = arith.constant 64 : i32
    %dma_start3A_287 = arith.constant 0 : i32
    %dma_start3A_288 = tpu.memref_slice %arg4[%add3A_276, %dma_start3A_286, %dma_start3A_287] : memref<128x128x128xf32, #tpu.memory_space<hbm>> -> memref<1x64x128xf32, #tpu.memory_space<hbm>>
    %dma_start3A_289 = tpu.memref_squeeze %dma_start3A_288 : memref<1x64x128xf32, #tpu.memory_space<hbm>> -> memref<64x128xf32, #tpu.memory_space<hbm>>
    %dma_start3A_290 = arith.constant 64 : i32
    %dma_start3A_291 = arith.constant 0 : i32
    %dma_start3A_292 = tpu.memref_slice %arg6[%dma_start3A_277, %dma_start3A_290, %dma_start3A_291] : memref<4x128x128xf32, #tpu.memory_space<vmem>> -> memref<1x64x128xf32, #tpu.memory_space<vmem>>
    %dma_start3A_293 = tpu.memref_squeeze %dma_start3A_292 : memref<1x64x128xf32, #tpu.memory_space<vmem>> -> memref<64x128xf32, #tpu.memory_space<vmem>>
    tpu.enqueue_dma source(%dma_start3A_293 : memref<64x128xf32, #tpu.memory_space<vmem>>) target(%dma_start3A_289 : memref<64x128xf32, #tpu.memory_space<hbm>>) target_semaphore(%arg18 : memref<!tpu.dma_semaphore, #tpu.memory_space<semaphore_mem>>)
    %dma_wait3A_294 = arith.constant 2 : i32
    %dma_wait3A_295 = arith.constant 0 : i32
    %dma_wait3A_296 = arith.constant 0 : i32
    %dma_wait3A_297 = tpu.memref_slice %arg6[%dma_wait3A_294, %dma_wait3A_295, %dma_wait3A_296] : memref<4x128x128xf32, #tpu.memory_space<vmem>> -> memref<1x64x128xf32, #tpu.memory_space<vmem>>
    %dma_wait3A_298 = tpu.memref_squeeze %dma_wait3A_297 : memref<1x64x128xf32, #tpu.memory_space<vmem>> -> memref<64x128xf32, #tpu.memory_space<vmem>>
    %dma_wait3A_299 = arith.constant 0 : i32
    %dma_wait3A_300 = tpu.memref_slice %arg5[%add3A_92, %dma_wait3A_299] : memref<128x128xi32, #tpu.memory_space<vmem>> -> memref<1x64xi32, #tpu.memory_space<vmem>>
    %dma_wait3A_301 = tpu.memref_squeeze %dma_wait3A_300 : memref<1x64xi32, #tpu.memory_space<vmem>> -> memref<64xi32, #tpu.memory_space<vmem>>
    %dma_wait3A_302 = arith.constant 0 : i32
    %dma_wait3A_303 = arith.constant 0 : i32
    %dma_wait3A_304 = tpu.memref_slice %arg3[%dma_wait3A_302, %dma_wait3A_303] : memref<1000000x128xf32, #tpu.memory_space<hbm>> -> memref<1000000x128xf32, #tpu.memory_space<hbm>>
    tpu.wait_indirect_dma semaphore(%arg11 : memref<!tpu.dma_semaphore, #tpu.memory_space<semaphore_mem>>) src(%dma_wait3A_304 : memref<1000000x128xf32, #tpu.memory_space<hbm>>) dst(%dma_wait3A_298 : memref<64x128xf32, #tpu.memory_space<vmem>>)
    %mul3A_305 = arith.constant 4 : i32
    %mul3A_306 = arith.muli %add3A, %mul3A_305 : i32
    %add3A_307 = arith.constant 2 : i32
    %add3A_308 = arith.addi %mul3A_306, %add3A_307 : i32
    %dma_start3A_309 = arith.constant 2 : i32
    %dma_start3A_310 = arith.constant 0 : i32
    %dma_start3A_311 = arith.constant 0 : i32
    %dma_start3A_312 = tpu.memref_slice %arg6[%dma_start3A_309, %dma_start3A_310, %dma_start3A_311] : memref<4x128x128xf32, #tpu.memory_space<vmem>> -> memref<1x64x128xf32, #tpu.memory_space<vmem>>
    %dma_start3A_313 = tpu.memref_squeeze %dma_start3A_312 : memref<1x64x128xf32, #tpu.memory_space<vmem>> -> memref<64x128xf32, #tpu.memory_space<vmem>>
    %dma_start3A_314 = arith.constant 0 : i32
    %dma_start3A_315 = arith.constant 0 : i32
    %dma_start3A_316 = tpu.memref_slice %arg4[%add3A_308, %dma_start3A_314, %dma_start3A_315] : memref<128x128x128xf32, #tpu.memory_space<hbm>> -> memref<1x64x128xf32, #tpu.memory_space<hbm>>
    %dma_start3A_317 = tpu.memref_squeeze %dma_start3A_316 : memref<1x64x128xf32, #tpu.memory_space<hbm>> -> memref<64x128xf32, #tpu.memory_space<hbm>>
    %dma_start3A_318 = arith.constant 0 : i32
    %dma_start3A_319 = arith.constant 0 : i32
    %dma_start3A_320 = tpu.memref_slice %arg4[%add3A_308, %dma_start3A_318, %dma_start3A_319] : memref<128x128x128xf32, #tpu.memory_space<hbm>> -> memref<1x64x128xf32, #tpu.memory_space<hbm>>
    %dma_start3A_321 = tpu.memref_squeeze %dma_start3A_320 : memref<1x64x128xf32, #tpu.memory_space<hbm>> -> memref<64x128xf32, #tpu.memory_space<hbm>>
    %dma_start3A_322 = arith.constant 0 : i32
    %dma_start3A_323 = arith.constant 0 : i32
    %dma_start3A_324 = tpu.memref_slice %arg6[%dma_start3A_309, %dma_start3A_322, %dma_start3A_323] : memref<4x128x128xf32, #tpu.memory_space<vmem>> -> memref<1x64x128xf32, #tpu.memory_space<vmem>>
    %dma_start3A_325 = tpu.memref_squeeze %dma_start3A_324 : memref<1x64x128xf32, #tpu.memory_space<vmem>> -> memref<64x128xf32, #tpu.memory_space<vmem>>
    tpu.enqueue_dma source(%dma_start3A_325 : memref<64x128xf32, #tpu.memory_space<vmem>>) target(%dma_start3A_321 : memref<64x128xf32, #tpu.memory_space<hbm>>) target_semaphore(%arg19 : memref<!tpu.dma_semaphore, #tpu.memory_space<semaphore_mem>>)
    %dma_wait3A_326 = arith.constant 2 : i32
    %dma_wait3A_327 = arith.constant 64 : i32
    %dma_wait3A_328 = arith.constant 0 : i32
    %dma_wait3A_329 = tpu.memref_slice %arg6[%dma_wait3A_326, %dma_wait3A_327, %dma_wait3A_328] : memref<4x128x128xf32, #tpu.memory_space<vmem>> -> memref<1x64x128xf32, #tpu.memory_space<vmem>>
    %dma_wait3A_330 = tpu.memref_squeeze %dma_wait3A_329 : memref<1x64x128xf32, #tpu.memory_space<vmem>> -> memref<64x128xf32, #tpu.memory_space<vmem>>
    %dma_wait3A_331 = arith.constant 64 : i32
    %dma_wait3A_332 = tpu.memref_slice %arg5[%add3A_113, %dma_wait3A_331] : memref<128x128xi32, #tpu.memory_space<vmem>> -> memref<1x64xi32, #tpu.memory_space<vmem>>
    %dma_wait3A_333 = tpu.memref_squeeze %dma_wait3A_332 : memref<1x64xi32, #tpu.memory_space<vmem>> -> memref<64xi32, #tpu.memory_space<vmem>>
    %dma_wait3A_334 = arith.constant 0 : i32
    %dma_wait3A_335 = arith.constant 0 : i32
    %dma_wait3A_336 = tpu.memref_slice %arg3[%dma_wait3A_334, %dma_wait3A_335] : memref<1000000x128xf32, #tpu.memory_space<hbm>> -> memref<1000000x128xf32, #tpu.memory_space<hbm>>
    tpu.wait_indirect_dma semaphore(%arg12 : memref<!tpu.dma_semaphore, #tpu.memory_space<semaphore_mem>>) src(%dma_wait3A_336 : memref<1000000x128xf32, #tpu.memory_space<hbm>>) dst(%dma_wait3A_330 : memref<64x128xf32, #tpu.memory_space<vmem>>)
    %mul3A_337 = arith.constant 4 : i32
    %mul3A_338 = arith.muli %add3A, %mul3A_337 : i32
    %add3A_339 = arith.constant 2 : i32
    %add3A_340 = arith.addi %mul3A_338, %add3A_339 : i32
    %dma_start3A_341 = arith.constant 2 : i32
    %dma_start3A_342 = arith.constant 64 : i32
    %dma_start3A_343 = arith.constant 0 : i32
    %dma_start3A_344 = tpu.memref_slice %arg6[%dma_start3A_341, %dma_start3A_342, %dma_start3A_343] : memref<4x128x128xf32, #tpu.memory_space<vmem>> -> memref<1x64x128xf32, #tpu.memory_space<vmem>>
    %dma_start3A_345 = tpu.memref_squeeze %dma_start3A_344 : memref<1x64x128xf32, #tpu.memory_space<vmem>> -> memref<64x128xf32, #tpu.memory_space<vmem>>
    %dma_start3A_346 = arith.constant 64 : i32
    %dma_start3A_347 = arith.constant 0 : i32
    %dma_start3A_348 = tpu.memref_slice %arg4[%add3A_340, %dma_start3A_346, %dma_start3A_347] : memref<128x128x128xf32, #tpu.memory_space<hbm>> -> memref<1x64x128xf32, #tpu.memory_space<hbm>>
    %dma_start3A_349 = tpu.memref_squeeze %dma_start3A_348 : memref<1x64x128xf32, #tpu.memory_space<hbm>> -> memref<64x128xf32, #tpu.memory_space<hbm>>
    %dma_start3A_350 = arith.constant 64 : i32
    %dma_start3A_351 = arith.constant 0 : i32
    %dma_start3A_352 = tpu.memref_slice %arg4[%add3A_340, %dma_start3A_350, %dma_start3A_351] : memref<128x128x128xf32, #tpu.memory_space<hbm>> -> memref<1x64x128xf32, #tpu.memory_space<hbm>>
    %dma_start3A_353 = tpu.memref_squeeze %dma_start3A_352 : memref<1x64x128xf32, #tpu.memory_space<hbm>> -> memref<64x128xf32, #tpu.memory_space<hbm>>
    %dma_start3A_354 = arith.constant 64 : i32
    %dma_start3A_355 = arith.constant 0 : i32
    %dma_start3A_356 = tpu.memref_slice %arg6[%dma_start3A_341, %dma_start3A_354, %dma_start3A_355] : memref<4x128x128xf32, #tpu.memory_space<vmem>> -> memref<1x64x128xf32, #tpu.memory_space<vmem>>
    %dma_start3A_357 = tpu.memref_squeeze %dma_start3A_356 : memref<1x64x128xf32, #tpu.memory_space<vmem>> -> memref<64x128xf32, #tpu.memory_space<vmem>>
    tpu.enqueue_dma source(%dma_start3A_357 : memref<64x128xf32, #tpu.memory_space<vmem>>) target(%dma_start3A_353 : memref<64x128xf32, #tpu.memory_space<hbm>>) target_semaphore(%arg20 : memref<!tpu.dma_semaphore, #tpu.memory_space<semaphore_mem>>)
    %dma_wait3A_358 = arith.constant 3 : i32
    %dma_wait3A_359 = arith.constant 0 : i32
    %dma_wait3A_360 = arith.constant 0 : i32
    %dma_wait3A_361 = tpu.memref_slice %arg6[%dma_wait3A_358, %dma_wait3A_359, %dma_wait3A_360] : memref<4x128x128xf32, #tpu.memory_space<vmem>> -> memref<1x64x128xf32, #tpu.memory_space<vmem>>
    %dma_wait3A_362 = tpu.memref_squeeze %dma_wait3A_361 : memref<1x64x128xf32, #tpu.memory_space<vmem>> -> memref<64x128xf32, #tpu.memory_space<vmem>>
    %dma_wait3A_363 = arith.constant 0 : i32
    %dma_wait3A_364 = tpu.memref_slice %arg5[%add3A_134, %dma_wait3A_363] : memref<128x128xi32, #tpu.memory_space<vmem>> -> memref<1x64xi32, #tpu.memory_space<vmem>>
    %dma_wait3A_365 = tpu.memref_squeeze %dma_wait3A_364 : memref<1x64xi32, #tpu.memory_space<vmem>> -> memref<64xi32, #tpu.memory_space<vmem>>
    %dma_wait3A_366 = arith.constant 0 : i32
    %dma_wait3A_367 = arith.constant 0 : i32
    %dma_wait3A_368 = tpu.memref_slice %arg3[%dma_wait3A_366, %dma_wait3A_367] : memref<1000000x128xf32, #tpu.memory_space<hbm>> -> memref<1000000x128xf32, #tpu.memory_space<hbm>>
    tpu.wait_indirect_dma semaphore(%arg13 : memref<!tpu.dma_semaphore, #tpu.memory_space<semaphore_mem>>) src(%dma_wait3A_368 : memref<1000000x128xf32, #tpu.memory_space<hbm>>) dst(%dma_wait3A_362 : memref<64x128xf32, #tpu.memory_space<vmem>>)
    %mul3A_369 = arith.constant 4 : i32
    %mul3A_370 = arith.muli %add3A, %mul3A_369 : i32
    %add3A_371 = arith.constant 3 : i32
    %add3A_372 = arith.addi %mul3A_370, %add3A_371 : i32
    %dma_start3A_373 = arith.constant 3 : i32
    %dma_start3A_374 = arith.constant 0 : i32
    %dma_start3A_375 = arith.constant 0 : i32
    %dma_start3A_376 = tpu.memref_slice %arg6[%dma_start3A_373, %dma_start3A_374, %dma_start3A_375] : memref<4x128x128xf32, #tpu.memory_space<vmem>> -> memref<1x64x128xf32, #tpu.memory_space<vmem>>
    %dma_start3A_377 = tpu.memref_squeeze %dma_start3A_376 : memref<1x64x128xf32, #tpu.memory_space<vmem>> -> memref<64x128xf32, #tpu.memory_space<vmem>>
    %dma_start3A_378 = arith.constant 0 : i32
    %dma_start3A_379 = arith.constant 0 : i32
    %dma_start3A_380 = tpu.memref_slice %arg4[%add3A_372, %dma_start3A_378, %dma_start3A_379] : memref<128x128x128xf32, #tpu.memory_space<hbm>> -> memref<1x64x128xf32, #tpu.memory_space<hbm>>
    %dma_start3A_381 = tpu.memref_squeeze %dma_start3A_380 : memref<1x64x128xf32, #tpu.memory_space<hbm>> -> memref<64x128xf32, #tpu.memory_space<hbm>>
    %dma_start3A_382 = arith.constant 0 : i32
    %dma_start3A_383 = arith.constant 0 : i32
    %dma_start3A_384 = tpu.memref_slice %arg4[%add3A_372, %dma_start3A_382, %dma_start3A_383] : memref<128x128x128xf32, #tpu.memory_space<hbm>> -> memref<1x64x128xf32, #tpu.memory_space<hbm>>
    %dma_start3A_385 = tpu.memref_squeeze %dma_start3A_384 : memref<1x64x128xf32, #tpu.memory_space<hbm>> -> memref<64x128xf32, #tpu.memory_space<hbm>>
    %dma_start3A_386 = arith.constant 0 : i32
    %dma_start3A_387 = arith.constant 0 : i32
    %dma_start3A_388 = tpu.memref_slice %arg6[%dma_start3A_373, %dma_start3A_386, %dma_start3A_387] : memref<4x128x128xf32, #tpu.memory_space<vmem>> -> memref<1x64x128xf32, #tpu.memory_space<vmem>>
    %dma_start3A_389 = tpu.memref_squeeze %dma_start3A_388 : memref<1x64x128xf32, #tpu.memory_space<vmem>> -> memref<64x128xf32, #tpu.memory_space<vmem>>
    tpu.enqueue_dma source(%dma_start3A_389 : memref<64x128xf32, #tpu.memory_space<vmem>>) target(%dma_start3A_385 : memref<64x128xf32, #tpu.memory_space<hbm>>) target_semaphore(%arg21 : memref<!tpu.dma_semaphore, #tpu.memory_space<semaphore_mem>>)
    %dma_wait3A_390 = arith.constant 3 : i32
    %dma_wait3A_391 = arith.constant 64 : i32
    %dma_wait3A_392 = arith.constant 0 : i32
    %dma_wait3A_393 = tpu.memref_slice %arg6[%dma_wait3A_390, %dma_wait3A_391, %dma_wait3A_392] : memref<4x128x128xf32, #tpu.memory_space<vmem>> -> memref<1x64x128xf32, #tpu.memory_space<vmem>>
    %dma_wait3A_394 = tpu.memref_squeeze %dma_wait3A_393 : memref<1x64x128xf32, #tpu.memory_space<vmem>> -> memref<64x128xf32, #tpu.memory_space<vmem>>
    %dma_wait3A_395 = arith.constant 64 : i32
    %dma_wait3A_396 = tpu.memref_slice %arg5[%add3A_155, %dma_wait3A_395] : memref<128x128xi32, #tpu.memory_space<vmem>> -> memref<1x64xi32, #tpu.memory_space<vmem>>
    %dma_wait3A_397 = tpu.memref_squeeze %dma_wait3A_396 : memref<1x64xi32, #tpu.memory_space<vmem>> -> memref<64xi32, #tpu.memory_space<vmem>>
    %dma_wait3A_398 = arith.constant 0 : i32
    %dma_wait3A_399 = arith.constant 0 : i32
    %dma_wait3A_400 = tpu.memref_slice %arg3[%dma_wait3A_398, %dma_wait3A_399] : memref<1000000x128xf32, #tpu.memory_space<hbm>> -> memref<1000000x128xf32, #tpu.memory_space<hbm>>
    tpu.wait_indirect_dma semaphore(%arg14 : memref<!tpu.dma_semaphore, #tpu.memory_space<semaphore_mem>>) src(%dma_wait3A_400 : memref<1000000x128xf32, #tpu.memory_space<hbm>>) dst(%dma_wait3A_394 : memref<64x128xf32, #tpu.memory_space<vmem>>)
    %mul3A_401 = arith.constant 4 : i32
    %mul3A_402 = arith.muli %add3A, %mul3A_401 : i32
    %add3A_403 = arith.constant 3 : i32
    %add3A_404 = arith.addi %mul3A_402, %add3A_403 : i32
    %dma_start3A_405 = arith.constant 3 : i32
    %dma_start3A_406 = arith.constant 64 : i32
    %dma_start3A_407 = arith.constant 0 : i32
    %dma_start3A_408 = tpu.memref_slice %arg6[%dma_start3A_405, %dma_start3A_406, %dma_start3A_407] : memref<4x128x128xf32, #tpu.memory_space<vmem>> -> memref<1x64x128xf32, #tpu.memory_space<vmem>>
    %dma_start3A_409 = tpu.memref_squeeze %dma_start3A_408 : memref<1x64x128xf32, #tpu.memory_space<vmem>> -> memref<64x128xf32, #tpu.memory_space<vmem>>
    %dma_start3A_410 = arith.constant 64 : i32
    %dma_start3A_411 = arith.constant 0 : i32
    %dma_start3A_412 = tpu.memref_slice %arg4[%add3A_404, %dma_start3A_410, %dma_start3A_411] : memref<128x128x128xf32, #tpu.memory_space<hbm>> -> memref<1x64x128xf32, #tpu.memory_space<hbm>>
    %dma_start3A_413 = tpu.memref_squeeze %dma_start3A_412 : memref<1x64x128xf32, #tpu.memory_space<hbm>> -> memref<64x128xf32, #tpu.memory_space<hbm>>
    %dma_start3A_414 = arith.constant 64 : i32
    %dma_start3A_415 = arith.constant 0 : i32
    %dma_start3A_416 = tpu.memref_slice %arg4[%add3A_404, %dma_start3A_414, %dma_start3A_415] : memref<128x128x128xf32, #tpu.memory_space<hbm>> -> memref<1x64x128xf32, #tpu.memory_space<hbm>>
    %dma_start3A_417 = tpu.memref_squeeze %dma_start3A_416 : memref<1x64x128xf32, #tpu.memory_space<hbm>> -> memref<64x128xf32, #tpu.memory_space<hbm>>
    %dma_start3A_418 = arith.constant 64 : i32
    %dma_start3A_419 = arith.constant 0 : i32
    %dma_start3A_420 = tpu.memref_slice %arg6[%dma_start3A_405, %dma_start3A_418, %dma_start3A_419] : memref<4x128x128xf32, #tpu.memory_space<vmem>> -> memref<1x64x128xf32, #tpu.memory_space<vmem>>
    %dma_start3A_421 = tpu.memref_squeeze %dma_start3A_420 : memref<1x64x128xf32, #tpu.memory_space<vmem>> -> memref<64x128xf32, #tpu.memory_space<vmem>>
    tpu.enqueue_dma source(%dma_start3A_421 : memref<64x128xf32, #tpu.memory_space<vmem>>) target(%dma_start3A_417 : memref<64x128xf32, #tpu.memory_space<hbm>>) target_semaphore(%arg22 : memref<!tpu.dma_semaphore, #tpu.memory_space<semaphore_mem>>)
    %dma_wait3A_422 = arith.constant 0 : i32
    %dma_wait3A_423 = arith.constant 0 : i32
    %dma_wait3A_424 = arith.constant 0 : i32
    %dma_wait3A_425 = tpu.memref_slice %arg6[%dma_wait3A_422, %dma_wait3A_423, %dma_wait3A_424] : memref<4x128x128xf32, #tpu.memory_space<vmem>> -> memref<1x64x128xf32, #tpu.memory_space<vmem>>
    %dma_wait3A_426 = tpu.memref_squeeze %dma_wait3A_425 : memref<1x64x128xf32, #tpu.memory_space<vmem>> -> memref<64x128xf32, #tpu.memory_space<vmem>>
    %dma_wait3A_427 = arith.constant 0 : i32
    %dma_wait3A_428 = arith.constant 0 : i32
    %dma_wait3A_429 = tpu.memref_slice %arg4[%add3A_180, %dma_wait3A_427, %dma_wait3A_428] : memref<128x128x128xf32, #tpu.memory_space<hbm>> -> memref<1x64x128xf32, #tpu.memory_space<hbm>>
    %dma_wait3A_430 = tpu.memref_squeeze %dma_wait3A_429 : memref<1x64x128xf32, #tpu.memory_space<hbm>> -> memref<64x128xf32, #tpu.memory_space<hbm>>
    %dma_wait3A_431 = arith.constant 0 : i32
    %dma_wait3A_432 = arith.constant 0 : i32
    %dma_wait3A_433 = tpu.memref_slice %arg4[%add3A_180, %dma_wait3A_431, %dma_wait3A_432] : memref<128x128x128xf32, #tpu.memory_space<hbm>> -> memref<1x64x128xf32, #tpu.memory_space<hbm>>
    %dma_wait3A_434 = tpu.memref_squeeze %dma_wait3A_433 : memref<1x64x128xf32, #tpu.memory_space<hbm>> -> memref<64x128xf32, #tpu.memory_space<hbm>>
    %dma_wait3A_435 = arith.constant 0 : i32
    %dma_wait3A_436 = arith.constant 0 : i32
    %dma_wait3A_437 = tpu.memref_slice %arg6[%dma_wait3A_422, %dma_wait3A_435, %dma_wait3A_436] : memref<4x128x128xf32, #tpu.memory_space<vmem>> -> memref<1x64x128xf32, #tpu.memory_space<vmem>>
    %dma_wait3A_438 = tpu.memref_squeeze %dma_wait3A_437 : memref<1x64x128xf32, #tpu.memory_space<vmem>> -> memref<64x128xf32, #tpu.memory_space<vmem>>
    tpu.wait_dma2 semaphore(%arg15 : memref<!tpu.dma_semaphore, #tpu.memory_space<semaphore_mem>>) src(%dma_wait3A_438 : memref<64x128xf32, #tpu.memory_space<vmem>>) dst(%dma_wait3A_434 : memref<64x128xf32, #tpu.memory_space<hbm>>)
    %dma_wait3A_439 = arith.constant 0 : i32
    %dma_wait3A_440 = arith.constant 64 : i32
    %dma_wait3A_441 = arith.constant 0 : i32
    %dma_wait3A_442 = tpu.memref_slice %arg6[%dma_wait3A_439, %dma_wait3A_440, %dma_wait3A_441] : memref<4x128x128xf32, #tpu.memory_space<vmem>> -> memref<1x64x128xf32, #tpu.memory_space<vmem>>
    %dma_wait3A_443 = tpu.memref_squeeze %dma_wait3A_442 : memref<1x64x128xf32, #tpu.memory_space<vmem>> -> memref<64x128xf32, #tpu.memory_space<vmem>>
    %dma_wait3A_444 = arith.constant 64 : i32
    %dma_wait3A_445 = arith.constant 0 : i32
    %dma_wait3A_446 = tpu.memref_slice %arg4[%add3A_212, %dma_wait3A_444, %dma_wait3A_445] : memref<128x128x128xf32, #tpu.memory_space<hbm>> -> memref<1x64x128xf32, #tpu.memory_space<hbm>>
    %dma_wait3A_447 = tpu.memref_squeeze %dma_wait3A_446 : memref<1x64x128xf32, #tpu.memory_space<hbm>> -> memref<64x128xf32, #tpu.memory_space<hbm>>
    %dma_wait3A_448 = arith.constant 64 : i32
    %dma_wait3A_449 = arith.constant 0 : i32
    %dma_wait3A_450 = tpu.memref_slice %arg4[%add3A_212, %dma_wait3A_448, %dma_wait3A_449] : memref<128x128x128xf32, #tpu.memory_space<hbm>> -> memref<1x64x128xf32, #tpu.memory_space<hbm>>
    %dma_wait3A_451 = tpu.memref_squeeze %dma_wait3A_450 : memref<1x64x128xf32, #tpu.memory_space<hbm>> -> memref<64x128xf32, #tpu.memory_space<hbm>>
    %dma_wait3A_452 = arith.constant 64 : i32
    %dma_wait3A_453 = arith.constant 0 : i32
    %dma_wait3A_454 = tpu.memref_slice %arg6[%dma_wait3A_439, %dma_wait3A_452, %dma_wait3A_453] : memref<4x128x128xf32, #tpu.memory_space<vmem>> -> memref<1x64x128xf32, #tpu.memory_space<vmem>>
    %dma_wait3A_455 = tpu.memref_squeeze %dma_wait3A_454 : memref<1x64x128xf32, #tpu.memory_space<vmem>> -> memref<64x128xf32, #tpu.memory_space<vmem>>
    tpu.wait_dma2 semaphore(%arg16 : memref<!tpu.dma_semaphore, #tpu.memory_space<semaphore_mem>>) src(%dma_wait3A_455 : memref<64x128xf32, #tpu.memory_space<vmem>>) dst(%dma_wait3A_451 : memref<64x128xf32, #tpu.memory_space<hbm>>)
    %dma_wait3A_456 = arith.constant 1 : i32
    %dma_wait3A_457 = arith.constant 0 : i32
    %dma_wait3A_458 = arith.constant 0 : i32
    %dma_wait3A_459 = tpu.memref_slice %arg6[%dma_wait3A_456, %dma_wait3A_457, %dma_wait3A_458] : memref<4x128x128xf32, #tpu.memory_space<vmem>> -> memref<1x64x128xf32, #tpu.memory_space<vmem>>
    %dma_wait3A_460 = tpu.memref_squeeze %dma_wait3A_459 : memref<1x64x128xf32, #tpu.memory_space<vmem>> -> memref<64x128xf32, #tpu.memory_space<vmem>>
    %dma_wait3A_461 = arith.constant 0 : i32
    %dma_wait3A_462 = arith.constant 0 : i32
    %dma_wait3A_463 = tpu.memref_slice %arg4[%add3A_244, %dma_wait3A_461, %dma_wait3A_462] : memref<128x128x128xf32, #tpu.memory_space<hbm>> -> memref<1x64x128xf32, #tpu.memory_space<hbm>>
    %dma_wait3A_464 = tpu.memref_squeeze %dma_wait3A_463 : memref<1x64x128xf32, #tpu.memory_space<hbm>> -> memref<64x128xf32, #tpu.memory_space<hbm>>
    %dma_wait3A_465 = arith.constant 0 : i32
    %dma_wait3A_466 = arith.constant 0 : i32
    %dma_wait3A_467 = tpu.memref_slice %arg4[%add3A_244, %dma_wait3A_465, %dma_wait3A_466] : memref<128x128x128xf32, #tpu.memory_space<hbm>> -> memref<1x64x128xf32, #tpu.memory_space<hbm>>
    %dma_wait3A_468 = tpu.memref_squeeze %dma_wait3A_467 : memref<1x64x128xf32, #tpu.memory_space<hbm>> -> memref<64x128xf32, #tpu.memory_space<hbm>>
    %dma_wait3A_469 = arith.constant 0 : i32
    %dma_wait3A_470 = arith.constant 0 : i32
    %dma_wait3A_471 = tpu.memref_slice %arg6[%dma_wait3A_456, %dma_wait3A_469, %dma_wait3A_470] : memref<4x128x128xf32, #tpu.memory_space<vmem>> -> memref<1x64x128xf32, #tpu.memory_space<vmem>>
    %dma_wait3A_472 = tpu.memref_squeeze %dma_wait3A_471 : memref<1x64x128xf32, #tpu.memory_space<vmem>> -> memref<64x128xf32, #tpu.memory_space<vmem>>
    tpu.wait_dma2 semaphore(%arg17 : memref<!tpu.dma_semaphore, #tpu.memory_space<semaphore_mem>>) src(%dma_wait3A_472 : memref<64x128xf32, #tpu.memory_space<vmem>>) dst(%dma_wait3A_468 : memref<64x128xf32, #tpu.memory_space<hbm>>)
    %dma_wait3A_473 = arith.constant 1 : i32
    %dma_wait3A_474 = arith.constant 64 : i32
    %dma_wait3A_475 = arith.constant 0 : i32
    %dma_wait3A_476 = tpu.memref_slice %arg6[%dma_wait3A_473, %dma_wait3A_474, %dma_wait3A_475] : memref<4x128x128xf32, #tpu.memory_space<vmem>> -> memref<1x64x128xf32, #tpu.memory_space<vmem>>
    %dma_wait3A_477 = tpu.memref_squeeze %dma_wait3A_476 : memref<1x64x128xf32, #tpu.memory_space<vmem>> -> memref<64x128xf32, #tpu.memory_space<vmem>>
    %dma_wait3A_478 = arith.constant 64 : i32
    %dma_wait3A_479 = arith.constant 0 : i32
    %dma_wait3A_480 = tpu.memref_slice %arg4[%add3A_276, %dma_wait3A_478, %dma_wait3A_479] : memref<128x128x128xf32, #tpu.memory_space<hbm>> -> memref<1x64x128xf32, #tpu.memory_space<hbm>>
    %dma_wait3A_481 = tpu.memref_squeeze %dma_wait3A_480 : memref<1x64x128xf32, #tpu.memory_space<hbm>> -> memref<64x128xf32, #tpu.memory_space<hbm>>
    %dma_wait3A_482 = arith.constant 64 : i32
    %dma_wait3A_483 = arith.constant 0 : i32
    %dma_wait3A_484 = tpu.memref_slice %arg4[%add3A_276, %dma_wait3A_482, %dma_wait3A_483] : memref<128x128x128xf32, #tpu.memory_space<hbm>> -> memref<1x64x128xf32, #tpu.memory_space<hbm>>
    %dma_wait3A_485 = tpu.memref_squeeze %dma_wait3A_484 : memref<1x64x128xf32, #tpu.memory_space<hbm>> -> memref<64x128xf32, #tpu.memory_space<hbm>>
    %dma_wait3A_486 = arith.constant 64 : i32
    %dma_wait3A_487 = arith.constant 0 : i32
    %dma_wait3A_488 = tpu.memref_slice %arg6[%dma_wait3A_473, %dma_wait3A_486, %dma_wait3A_487] : memref<4x128x128xf32, #tpu.memory_space<vmem>> -> memref<1x64x128xf32, #tpu.memory_space<vmem>>
    %dma_wait3A_489 = tpu.memref_squeeze %dma_wait3A_488 : memref<1x64x128xf32, #tpu.memory_space<vmem>> -> memref<64x128xf32, #tpu.memory_space<vmem>>
    tpu.wait_dma2 semaphore(%arg18 : memref<!tpu.dma_semaphore, #tpu.memory_space<semaphore_mem>>) src(%dma_wait3A_489 : memref<64x128xf32, #tpu.memory_space<vmem>>) dst(%dma_wait3A_485 : memref<64x128xf32, #tpu.memory_space<hbm>>)
    %dma_wait3A_490 = arith.constant 2 : i32
    %dma_wait3A_491 = arith.constant 0 : i32
    %dma_wait3A_492 = arith.constant 0 : i32
    %dma_wait3A_493 = tpu.memref_slice %arg6[%dma_wait3A_490, %dma_wait3A_491, %dma_wait3A_492] : memref<4x128x128xf32, #tpu.memory_space<vmem>> -> memref<1x64x128xf32, #tpu.memory_space<vmem>>
    %dma_wait3A_494 = tpu.memref_squeeze %dma_wait3A_493 : memref<1x64x128xf32, #tpu.memory_space<vmem>> -> memref<64x128xf32, #tpu.memory_space<vmem>>
    %dma_wait3A_495 = arith.constant 0 : i32
    %dma_wait3A_496 = arith.constant 0 : i32
    %dma_wait3A_497 = tpu.memref_slice %arg4[%add3A_308, %dma_wait3A_495, %dma_wait3A_496] : memref<128x128x128xf32, #tpu.memory_space<hbm>> -> memref<1x64x128xf32, #tpu.memory_space<hbm>>
    %dma_wait3A_498 = tpu.memref_squeeze %dma_wait3A_497 : memref<1x64x128xf32, #tpu.memory_space<hbm>> -> memref<64x128xf32, #tpu.memory_space<hbm>>
    %dma_wait3A_499 = arith.constant 0 : i32
    %dma_wait3A_500 = arith.constant 0 : i32
    %dma_wait3A_501 = tpu.memref_slice %arg4[%add3A_308, %dma_wait3A_499, %dma_wait3A_500] : memref<128x128x128xf32, #tpu.memory_space<hbm>> -> memref<1x64x128xf32, #tpu.memory_space<hbm>>
    %dma_wait3A_502 = tpu.memref_squeeze %dma_wait3A_501 : memref<1x64x128xf32, #tpu.memory_space<hbm>> -> memref<64x128xf32, #tpu.memory_space<hbm>>
    %dma_wait3A_503 = arith.constant 0 : i32
    %dma_wait3A_504 = arith.constant 0 : i32
    %dma_wait3A_505 = tpu.memref_slice %arg6[%dma_wait3A_490, %dma_wait3A_503, %dma_wait3A_504] : memref<4x128x128xf32, #tpu.memory_space<vmem>> -> memref<1x64x128xf32, #tpu.memory_space<vmem>>
    %dma_wait3A_506 = tpu.memref_squeeze %dma_wait3A_505 : memref<1x64x128xf32, #tpu.memory_space<vmem>> -> memref<64x128xf32, #tpu.memory_space<vmem>>
    tpu.wait_dma2 semaphore(%arg19 : memref<!tpu.dma_semaphore, #tpu.memory_space<semaphore_mem>>) src(%dma_wait3A_506 : memref<64x128xf32, #tpu.memory_space<vmem>>) dst(%dma_wait3A_502 : memref<64x128xf32, #tpu.memory_space<hbm>>)
    %dma_wait3A_507 = arith.constant 2 : i32
    %dma_wait3A_508 = arith.constant 64 : i32
    %dma_wait3A_509 = arith.constant 0 : i32
    %dma_wait3A_510 = tpu.memref_slice %arg6[%dma_wait3A_507, %dma_wait3A_508, %dma_wait3A_509] : memref<4x128x128xf32, #tpu.memory_space<vmem>> -> memref<1x64x128xf32, #tpu.memory_space<vmem>>
    %dma_wait3A_511 = tpu.memref_squeeze %dma_wait3A_510 : memref<1x64x128xf32, #tpu.memory_space<vmem>> -> memref<64x128xf32, #tpu.memory_space<vmem>>
    %dma_wait3A_512 = arith.constant 64 : i32
    %dma_wait3A_513 = arith.constant 0 : i32
    %dma_wait3A_514 = tpu.memref_slice %arg4[%add3A_340, %dma_wait3A_512, %dma_wait3A_513] : memref<128x128x128xf32, #tpu.memory_space<hbm>> -> memref<1x64x128xf32, #tpu.memory_space<hbm>>
    %dma_wait3A_515 = tpu.memref_squeeze %dma_wait3A_514 : memref<1x64x128xf32, #tpu.memory_space<hbm>> -> memref<64x128xf32, #tpu.memory_space<hbm>>
    %dma_wait3A_516 = arith.constant 64 : i32
    %dma_wait3A_517 = arith.constant 0 : i32
    %dma_wait3A_518 = tpu.memref_slice %arg4[%add3A_340, %dma_wait3A_516, %dma_wait3A_517] : memref<128x128x128xf32, #tpu.memory_space<hbm>> -> memref<1x64x128xf32, #tpu.memory_space<hbm>>
    %dma_wait3A_519 = tpu.memref_squeeze %dma_wait3A_518 : memref<1x64x128xf32, #tpu.memory_space<hbm>> -> memref<64x128xf32, #tpu.memory_space<hbm>>
    %dma_wait3A_520 = arith.constant 64 : i32
    %dma_wait3A_521 = arith.constant 0 : i32
    %dma_wait3A_522 = tpu.memref_slice %arg6[%dma_wait3A_507, %dma_wait3A_520, %dma_wait3A_521] : memref<4x128x128xf32, #tpu.memory_space<vmem>> -> memref<1x64x128xf32, #tpu.memory_space<vmem>>
    %dma_wait3A_523 = tpu.memref_squeeze %dma_wait3A_522 : memref<1x64x128xf32, #tpu.memory_space<vmem>> -> memref<64x128xf32, #tpu.memory_space<vmem>>
    tpu.wait_dma2 semaphore(%arg20 : memref<!tpu.dma_semaphore, #tpu.memory_space<semaphore_mem>>) src(%dma_wait3A_523 : memref<64x128xf32, #tpu.memory_space<vmem>>) dst(%dma_wait3A_519 : memref<64x128xf32, #tpu.memory_space<hbm>>)
    %dma_wait3A_524 = arith.constant 3 : i32
    %dma_wait3A_525 = arith.constant 0 : i32
    %dma_wait3A_526 = arith.constant 0 : i32
    %dma_wait3A_527 = tpu.memref_slice %arg6[%dma_wait3A_524, %dma_wait3A_525, %dma_wait3A_526] : memref<4x128x128xf32, #tpu.memory_space<vmem>> -> memref<1x64x128xf32, #tpu.memory_space<vmem>>
    %dma_wait3A_528 = tpu.memref_squeeze %dma_wait3A_527 : memref<1x64x128xf32, #tpu.memory_space<vmem>> -> memref<64x128xf32, #tpu.memory_space<vmem>>
    %dma_wait3A_529 = arith.constant 0 : i32
    %dma_wait3A_530 = arith.constant 0 : i32
    %dma_wait3A_531 = tpu.memref_slice %arg4[%add3A_372, %dma_wait3A_529, %dma_wait3A_530] : memref<128x128x128xf32, #tpu.memory_space<hbm>> -> memref<1x64x128xf32, #tpu.memory_space<hbm>>
    %dma_wait3A_532 = tpu.memref_squeeze %dma_wait3A_531 : memref<1x64x128xf32, #tpu.memory_space<hbm>> -> memref<64x128xf32, #tpu.memory_space<hbm>>
    %dma_wait3A_533 = arith.constant 0 : i32
    %dma_wait3A_534 = arith.constant 0 : i32
    %dma_wait3A_535 = tpu.memref_slice %arg4[%add3A_372, %dma_wait3A_533, %dma_wait3A_534] : memref<128x128x128xf32, #tpu.memory_space<hbm>> -> memref<1x64x128xf32, #tpu.memory_space<hbm>>
    %dma_wait3A_536 = tpu.memref_squeeze %dma_wait3A_535 : memref<1x64x128xf32, #tpu.memory_space<hbm>> -> memref<64x128xf32, #tpu.memory_space<hbm>>
    %dma_wait3A_537 = arith.constant 0 : i32
    %dma_wait3A_538 = arith.constant 0 : i32
    %dma_wait3A_539 = tpu.memref_slice %arg6[%dma_wait3A_524, %dma_wait3A_537, %dma_wait3A_538] : memref<4x128x128xf32, #tpu.memory_space<vmem>> -> memref<1x64x128xf32, #tpu.memory_space<vmem>>
    %dma_wait3A_540 = tpu.memref_squeeze %dma_wait3A_539 : memref<1x64x128xf32, #tpu.memory_space<vmem>> -> memref<64x128xf32, #tpu.memory_space<vmem>>
    tpu.wait_dma2 semaphore(%arg21 : memref<!tpu.dma_semaphore, #tpu.memory_space<semaphore_mem>>) src(%dma_wait3A_540 : memref<64x128xf32, #tpu.memory_space<vmem>>) dst(%dma_wait3A_536 : memref<64x128xf32, #tpu.memory_space<hbm>>)
    %dma_wait3A_541 = arith.constant 3 : i32
    %dma_wait3A_542 = arith.constant 64 : i32
    %dma_wait3A_543 = arith.constant 0 : i32
    %dma_wait3A_544 = tpu.memref_slice %arg6[%dma_wait3A_541, %dma_wait3A_542, %dma_wait3A_543] : memref<4x128x128xf32, #tpu.memory_space<vmem>> -> memref<1x64x128xf32, #tpu.memory_space<vmem>>
    %dma_wait3A_545 = tpu.memref_squeeze %dma_wait3A_544 : memref<1x64x128xf32, #tpu.memory_space<vmem>> -> memref<64x128xf32, #tpu.memory_space<vmem>>
    %dma_wait3A_546 = arith.constant 64 : i32
    %dma_wait3A_547 = arith.constant 0 : i32
    %dma_wait3A_548 = tpu.memref_slice %arg4[%add3A_404, %dma_wait3A_546, %dma_wait3A_547] : memref<128x128x128xf32, #tpu.memory_space<hbm>> -> memref<1x64x128xf32, #tpu.memory_space<hbm>>
    %dma_wait3A_549 = tpu.memref_squeeze %dma_wait3A_548 : memref<1x64x128xf32, #tpu.memory_space<hbm>> -> memref<64x128xf32, #tpu.memory_space<hbm>>
    %dma_wait3A_550 = arith.constant 64 : i32
    %dma_wait3A_551 = arith.constant 0 : i32
    %dma_wait3A_552 = tpu.memref_slice %arg4[%add3A_404, %dma_wait3A_550, %dma_wait3A_551] : memref<128x128x128xf32, #tpu.memory_space<hbm>> -> memref<1x64x128xf32, #tpu.memory_space<hbm>>
    %dma_wait3A_553 = tpu.memref_squeeze %dma_wait3A_552 : memref<1x64x128xf32, #tpu.memory_space<hbm>> -> memref<64x128xf32, #tpu.memory_space<hbm>>
    %dma_wait3A_554 = arith.constant 64 : i32
    %dma_wait3A_555 = arith.constant 0 : i32
    %dma_wait3A_556 = tpu.memref_slice %arg6[%dma_wait3A_541, %dma_wait3A_554, %dma_wait3A_555] : memref<4x128x128xf32, #tpu.memory_space<vmem>> -> memref<1x64x128xf32, #tpu.memory_space<vmem>>
    %dma_wait3A_557 = tpu.memref_squeeze %dma_wait3A_556 : memref<1x64x128xf32, #tpu.memory_space<vmem>> -> memref<64x128xf32, #tpu.memory_space<vmem>>
    tpu.wait_dma2 semaphore(%arg22 : memref<!tpu.dma_semaphore, #tpu.memory_space<semaphore_mem>>) src(%dma_wait3A_557 : memref<64x128xf32, #tpu.memory_space<vmem>>) dst(%dma_wait3A_553 : memref<64x128xf32, #tpu.memory_space<hbm>>)
    return
  }
}

</mosaic_0001>

<sc_bundles>
// kernel: _embed.3.cloned.1.call-start
scs
__scs_entry_jumppad:
0x0: {  	(pc) =	sbr.rel $0x88, $3  }
0x1: {  	(tag) =	ssettag $0x0;
	lr =	simm.s32 $0x1  }
0x2: {  	[smem:$0x3F9F] =	sst lr;
	_ =	strace $0xD0000000  }
0x3: {  	_ = 	snop  }
0x4: {  	_ = 	snop  }
0x5: {  	_ = 	snop  }
0x6: {  	_ = 	snop  }
0x7: {  	_ = 	snop  }
__scs_overlays_trampoline_lowered:
0x8: {  	[smem:$0x3FAE] =	sst s0  }
0x9: {  	[smem:$0x3FAF] =	sst s1  }
0xa: {  	[smem:$0x3FB0] =	sst s2  }
0xb: {  	[smem:$0x3FB1] =	sst s3  }
0xc: {  	[smem:$0x3FB2] =	sst s4  }
0xd: {  	[smem:$0x3FB3] =	sst s5  }
0xe: {  	[smem:$0x3FB4] =	sst s6  }
0xf: {  	[smem:$0x3FB5] =	sst s7  }
0x10: {  	[smem:$0x3FB6] =	sst s8  }
0x11: {  	[smem:$0x3FB7] =	sst s9;
	s0 =	simm.s32 @!p0 $0x0  }
0x12: {  	s1 =	sld [smem:$0x3F9D];
	s0 =	simm.s32 @p0 $0x1  }
0x13: {  	[smem:$0x3FB8] =	sst s0;
	s0 =	simm.s32 @!p1 $0x0  }
0x14: {  	s2 =	sld [smem:$0x3F9C];
	s0 =	simm.s32 @p1 $0x1  }
0x15: {  	[smem:$0x3FB9] =	sst s0;
	s0 =	simm.s32 @!p2 $0x0  }
0x16: {  	s3 =	sld [smem:$0x3FDB];
	s0 =	simm.s32 @p2 $0x1  }
0x17: {  	s4 =	simm.s32 $0x1BF5;
	[smem:$0x3FBB] =	sst s0  }
0x18: {  	s0 =	sld [smem:$0x3F9E];
	_ =	swait.ge [sflag:s4], $0x0  }
0x19: {  	s7 =	sld [smem:$0x3F9F]  }
0x1a: {  	s8 =	sadd.s32 $0xFFFFE003, lr  }
0x1b: {  	s9 =	sadd.s32 $0xFFFFFEF7, lr;
	s5 =	simm.s32 $0xFFFFFFFF;
	p2 =	slt.u32 s8, $0xFFFFF086  }
0x1c: {  	p1 =	slt.u32 s9, $0xF7A;
	s5 =	simm.s32 @!p2 $0x0  }
0x1d: {  	s5 =	simm.s32 @p1 $0x1;
	p0 =	seq.s32 s7, s2  }
0x1e: {  	s7 =	smul.u32 @!p0 $0xF7A, s2;
	p2 =	seq.s32 @!p0 s5, $0x0  }
0x1f: {  	s9 =	smul.u32 $0xF7A, s1;
	s8 =	simm.s32 @!p0 $0x1BF5;
	p2 =	por !p2, p0  }
0x20: {  	[sflag:s8] =	ssyncset.s32 @!p0 $0xFFFFF086;
	s6 =	sadd.s32 @!p0 s3, s7;
	s7 =	simm.s32 @!p0 $0x108  }
0x21: {  	s3 =	sadd.s32 s3, s9;
	s6 =	sadd.s32 @!p0 $0x88, s6;
	s7 =	simm.s32 @p2 $0x1082  }
0x22: {  	[simem:s7], [sflag:s8] =	dma.local @!p0 [hbm:s6], $0xF7A  }
0x23: {  	s9 =	sor.u32 $0xD0000000, s2;
	s6 =	simm.s32 $0x108;
	_ =	swait.ge @!p0 [sflag:s8], $0x0  }
0x24: {  	s3 =	sadd.s32 $0x88, s3;
	s6 =	simm.s32 @!p1 $0x1082;
	[sflag:s4] =	ssyncset.s32 $0xFFFFF086  }
0x25: {  	[simem:s6], [sflag:s4] =	dma.local [hbm:s3], $0xF7A  }
0x26: {  	[smem:$0x3F9F] =	sst s1;
	(tag) =	ssettag s2;
	_ =	strace s9  }
0x27: {  	s1 =	sld [smem:$0x3FAF]  }
0x28: {  	s2 =	sld [smem:$0x3FB0]  }
0x29: {  	s4 =	sld [smem:$0x3FB2]  }
0x2a: {  	p0 =	seq.s32 s5, $0x0;
	s5 =	sld [smem:$0x3FB3]  }
0x2b: {  	s6 =	sld [smem:$0x3FB4]  }
0x2c: {  	s7 =	sld [smem:$0x3FB5]  }
0x2d: {  	s3 =	simm.s32 $0x108;
	s8 =	sld [smem:$0x3FB6]  }
0x2e: {  	s3 =	simm.s32 @!p0 $0x1082;
	s9 =	sld [smem:$0x3FB7]  }
0x2f: {  	lr =	sadd.s32 s0, s3;
	s0 =	sld [smem:$0x3FAE]  }
0x30: {  	s3 =	sld [smem:$0x3FB1]  }
0x31: {  	[smem:$0x3FBA] =	sst s10  }
0x32: {  	s10 =	sld [smem:$0x3FB8];
	_ =	sdelay $0x3  }
0x33: {  	p0 =	seq.s32 s10, $0x1;
	s10 =	sld [smem:$0x3FBA];
	_ =	sdelay $0x3  }
0x34: {  	[smem:$0x3FBA] =	sst s10  }
0x35: {  	s10 =	sld [smem:$0x3FB9];
	_ =	sdelay $0x3  }
0x36: {  	p1 =	seq.s32 s10, $0x1;
	s10 =	sld [smem:$0x3FBA];
	_ =	sdelay $0x3  }
0x37: {  	[smem:$0x3FBA] =	sst s10  }
0x38: {  	s10 =	sld [smem:$0x3FBB]  }
0x39: {  	_ = 	snop;
	(pc) =	sbr.ind lr, $3  }
0x3a: {  	_ = 	snop  }
0x3b: {  	_ = 	snop  }
0x3c: {  	p2 =	seq.s32 s10, $0x1;
	s10 =	sld [smem:$0x3FBA]  }
0x3d: {  	_ =	shalt  }
0x3e: {  	_ =	shalt  }
0x3f: {  	_ =	shalt  }
0x40: {  	_ =	shalt  }
0x41: {  	_ =	shalt  }
0x42: {  	_ =	shalt  }
0x43: {  	_ =	shalt  }
0x44: {  	_ =	shalt  }
0x45: {  	_ =	shalt  }
0x46: {  	_ =	shalt  }
0x47: {  	_ =	shalt  }
0x48: {  	_ =	shalt  }
0x49: {  	_ =	shalt  }
0x4a: {  	_ =	shalt  }
0x4b: {  	_ =	shalt  }
0x4c: {  	_ =	shalt  }
0x4d: {  	_ =	shalt  }
0x4e: {  	_ =	shalt  }
0x4f: {  	_ =	shalt  }
0x50: {  	_ =	shalt  }
0x51: {  	_ =	shalt  }
0x52: {  	_ =	shalt  }
0x53: {  	_ =	shalt  }
0x54: {  	_ =	shalt  }
0x55: {  	_ =	shalt  }
0x56: {  	_ =	shalt  }
0x57: {  	_ =	shalt  }
0x58: {  	_ =	shalt  }
0x59: {  	_ =	shalt  }
0x5a: {  	_ =	shalt  }
0x5b: {  	_ =	shalt  }
0x5c: {  	_ =	shalt  }
0x5d: {  	_ =	shalt  }
0x5e: {  	_ =	shalt  }
0x5f: {  	_ =	shalt  }
0x60: {  	_ =	shalt  }
0x61: {  	_ =	shalt  }
0x62: {  	_ =	shalt  }
0x63: {  	_ =	shalt  }
0x64: {  	_ =	shalt  }
0x65: {  	_ =	shalt  }
0x66: {  	_ =	shalt  }
0x67: {  	_ =	shalt  }
0x68: {  	_ =	shalt  }
0x69: {  	_ =	shalt  }
0x6a: {  	_ =	shalt  }
0x6b: {  	_ =	shalt  }
0x6c: {  	_ =	shalt  }
0x6d: {  	_ =	shalt  }
0x6e: {  	_ =	shalt  }
0x6f: {  	_ =	shalt  }
0x70: {  	_ =	shalt  }
0x71: {  	_ =	shalt  }
0x72: {  	_ =	shalt  }
0x73: {  	_ =	shalt  }
0x74: {  	_ =	shalt  }
0x75: {  	_ =	shalt  }
0x76: {  	_ =	shalt  }
0x77: {  	_ =	shalt  }
0x78: {  	_ =	shalt  }
0x79: {  	_ =	shalt  }
0x7a: {  	_ =	shalt  }
0x7b: {  	_ =	shalt  }
0x7c: {  	_ =	shalt  }
0x7d: {  	_ =	shalt  }
0x7e: {  	_ =	shalt  }
0x7f: {  	_ =	shalt  }
0x80: {  	_ =	shalt  }
0x81: {  	_ =	shalt  }
0x82: {  	_ =	shalt  }
0x83: {  	_ =	shalt  }
0x84: {  	_ =	shalt  }
0x85: {  	_ =	shalt  }
0x86: {  	_ =	shalt  }
0x87: {  	_ =	shalt  }
.Lfunc_end0:
.L_simem_size_0:
called_computation_lowered:
.L_overlay_start_0:
0x88: {  	s2 =	sld [smem:$0x3FD9]  }
0x89: {  	s3 =	sld [smem:$0x3FFE];
	_ =	sdelay $0x1  }
0x8a: {  	s1 =	srdreg.scid  }
0x8b: {  	s0 =	sand.u32 $0x1, s1  }
0x8c: {  	s18 =	sshll.u32 s0, $0xA;
	s2 =	sadd.s32 s3, s2  }
0x8d: {  	s2 =	sadd.s32 s2, s18  }
0x8e: {  	[smem:$0x3FC6] =	sst s2  }
0x8f: {  	_ = 	snop  }
0x90: {  	s2 =	sld [smem:$0x3FC9]  }
0x91: {  	s19 =	sld [smem:$0x3FC8]  }
0x92: {  	s4 =	sld [smem:$0x3FD0];
	(tm) =	ssettm $0x1  }
0x93: {  	s5 =	sld [smem:$0x3FFB];
	_ =	sdelay $0x3  }
0x94: {  	_ =	strace s5  }
0x95: {  	s5 =	sld [smem:$0x3FFC];
	_ =	sdelay $0x3  }
0x96: {  	_ =	strace s5  }
0x97: {  	s5 =	sld [smem:$0x3FFD];
	_ =	sdelay $0x3  }
0x98: {  	_ =	strace s5  }
0x99: {  	_ =	strace $0x8FFFFFFF  }
0x9a: {  	s20 =	sld [smem:$0x3FDB];
	_ =	sdelay $0x1  }
0x9b: {  	s6 =	simm.s32 $_scs_section_size  }
0x9c: {  	s7 =	simm.s32 $_size__tile_overlayer_lowered;
	s8 =	simm.s32 $_tile_overlayer_lowered  }
0x9d: {  	s23 =	simm.s32 $0x1BFF;
	s22 =	sshll.u32 s8, $0x1;
	s5 =	sadd.s32 s6, s20  }
0x9e: {  	s9 =	simm.s32 $0x0;
	s21 =	sshll.u32 s7, $0x1;
	s7 =	sadd.s32 s22, s5  }
0x9f: {  	[timem:s9], [sflag:s23] =	dma.local [hbm:s7], s21  }
0xa0: {  	_ =	swait.ge [sflag:s23], s21  }
0xa1: {  	s6 =	ssub.s32 $0x0, s21;
	[sflag:s23] =	ssyncset.done $0x0  }
0xa2: {  	[sflag:s23] =	ssyncadd.s32 s6;
	_ =	sdelay $0x1  }
0xa3: {  	s24 =	simm.s32 $0x1B8B  }
0xa4: {  	_ =	swait.ge [sflag:s24], $0x1  }
0xa5: {  	[sflag:s24] =	ssyncset.done $0x0  }
0xa6: {  	s25 =	simm.s32 $0x1B8E;
	[sflag:s24] =	ssyncadd.s32 $0xFFFFFFFF  }
0xa7: {  	s26 =	simm.s32 $execute0_lowered;
	[smem:$0x3FD2] =	sst s25  }
0xa8: {  	s6 =	sshll.u32 s26, $0x1;
	_ =	strace $0x80000046;
	[dreg:$0x1] =	wrdreg $0xFFFFFFFF  }
0xa9: {  	s28 =	simm.s32 $_size_execute0_lowered;
	s5 =	sadd.s32 s5, s6;
	[dreg:$0x0] =	wrdreg $0x0  }
0xaa: {  	s6 =	sshll.u32 s28, $0x1;
	[dreg:$0x2] =	wrdreg s5  }
0xab: {  	[dreg:$0x3] =	wrdreg s6  }
0xac: {  	[dreg:$0x4] =	wrdreg $0xC0  }
0xad: {  	_ =	task [dreg:s9], $0x5FFFF  }
0xae: {  	[dreg:$0x1] =	wrdreg $0xFFFFFFFF  }
0xaf: {  	[dreg:$0x0] =	wrdreg $0x60  }
0xb0: {  	[dreg:$0x2] =	wrdreg s2  }
0xb1: {  	[dreg:$0x3] =	wrdreg s19  }
0xb2: {  	[dreg:$0x4] =	wrdreg s4  }
0xb3: {  	[dreg:$0x5] =	wrdreg $0x9  }
0xb4: {  	_ =	task.clear_ibuf [dreg:s9], $0x6FFFF;
	_ =	strace $0x90000046  }
0xb5: {  	s29 =	simm.s32 $0x9;
	_ =	strace $0x80000048  }
0xb6: {  	_ =	swait.ge [sflag:s29], $0x1  }
0xb7: {  	[sflag:s29] =	ssyncadd.s32 $0xFFFFFFFF  }
0xb8: {  	_ =	strace $0x90000048  }
0xb9: {  	_ =	sfence  }
0xba: {  	s30 =	sld [smem:$0x0];
	_ =	sdelay $0x2  }
0xbb: {  	s31 =	sshll.u32 s1, $0xD;
	s1 =	sshrl.u32 s1, $0x2  }
0xbc: {  	s3 =	sand.u32 $0x4000, s31;
	s1 =	sadd.s32 s1, s30  }
0xbd: {  	s0 =	sor.u32 s3, s0;
	s1 =	sshll.u32 s1, $0x11  }
0xbe: {  	s0 =	sor.u32 s1, s0  }
0xbf: {  	s0 =	sadd.s32 $0x8F2B, s0  }
0xc0: {  	[sflag:s0] =	ssyncadd.remote.s32 $0x1  }
0xc1: {  	_ =	sfence.sel $0xFFFF  }
0xc2: {  	[dreg:$0x0] =	wrdreg $0xFFFFFFFF;
	(pc) =	sbr.abs _section_cstart, $3  }
0xc3: {  	[dreg:$0x1] =	wrdreg $0xFFFFFFFF  }
0xc4: {  	_ =	task.clear_ibuf [dreg:s9], $0x2FFFF;
	_ =	strace $0x9FFFFFFF  }
0xc5: {  	(tm) =	ssettm $0x7FFFFFFF  }
tec
execute0_lowered:
.L_overlay_start_1:
0x0: {  	(tag) =	ssettag $0x1  }
0x1: {  	s2 =	rddreg [dreg:$0x1]  }
0x2: {  	s0 =	rddreg [dreg:$0x2]  }
0x3: {  	s1 =	srdreg.scid;
	s4 =	simm.s32 $0x0;
	s5 =	stileid.u32  }
0x4: {  	s14 =	simm.s32 $0x9;
	s15 =	simm.s32 $0xC;
	s28 =	simm.s32 $0xD  }
0x5: {  	s16 =	simm.s32 $0xE;
	s29 =	simm.s32 $0xF;
	s30 =	simm.s32 $0x10  }
0x6: {  	s17 =	simm.s32 $0x0;
	s1 =	sand.u32 $0x1, s1;
	[smem:$0x7FF] =	sst s4  }
0x7: {  	s5 =	sshll.u32 s5, $0x1;
	s24 =	sadd.s32 $0x400, s0;
	s3 =	ssub.s32 $0x2, s1  }
0x8: {  	_ =	strace $0x80000047;
	s1 =	sor.u32 s1, s5;
	s6 =	sshrl.u32 s3, $0x1  }
0x9: {  	s22 =	sshll.u32 s1, $0x2;
	s5 =	sshll.u32 s1, $0x9;
	s10 =	sshllo.u32 s1, $0x2  }
0xa: {  	s1 =	sshll.u32 s1, $0xD;
	s3 =	ssub.s32 s3, s6;
	s7 =	sor.u32 $0x40, s5  }
0xb: {  	s9 =	sor.u32 $0x1, s22;
	s6 =	sor.u32 $0x2, s22;
	s13 =	sadd.s32 s0, s1  }
0xc: {  	s1 =	sadd.s32 s1, s24;
	s31 =	sshll.u32 s10, $0xB;
	[dreg:$0x4] =	wrdreg s7  }
0xd: {  	s22 =	simm.s32 $0x11;
	s7 =	sshll.u32 s9, $0x7;
	[dreg:$0x8] =	wrdreg s13  }
0xe: {  	s8 =	sshll.u32 s6, $0x7;
	[dreg:$0x9] =	wrdreg s1;
	s25 =	sshll.u32 s9, $0xB  }
0xf: {  	s26 =	sshll.u32 s6, $0xB;
	s19 =	sadd.s32 s0, s31;
	s11 =	sor.u32 $0x40, s7  }
0x10: {  	s20 =	sadd.s32 s31, s24;
	s23 =	sor.u32 $0x40, s8;
	[dreg:$0x5] =	wrdreg s11  }
0x11: {  	s21 =	smax.u32 s3, $0x1;
	s9 =	sadd.s32 s0, s25;
	[dreg:$0x6] =	wrdreg s23  }
0x12: {  	s3 =	simm.s32 $0x1;
	s1 =	sadd.s32 s25, s24;
	[dreg:$0xa] =	wrdreg s9  }
0x13: {  	s13 =	simm.s32 $0x7;
	s6 =	sadd.s32 s0, s26;
	[dreg:$0xb] =	wrdreg s1  }
0x14: {  	s25 =	simm.s32 $0xA;
	s11 =	sshll.u32 s10, $0x7;
	[dreg:$0xc] =	wrdreg s6  }
0x15: {  	s1 =	sadd.s32 s26, s24;
	s23 =	simm.s32 $0x40;
	s6 =	simm.s32 $0x3  }
0x16: {  	s9 =	simm.s32 $0x4;
	s10 =	simm.s32 $0x5;
	s24 =	simm.s32 $0x8  }
0x17: {  	s26 =	simm.s32 $0xB;
	s12 =	sor.u32 $0x40, s11;
	[dreg:$0xd] =	wrdreg s1  }
0x18: {  	s1 =	simm.s32 $0x2;
	[dreg:$0x7] =	wrdreg s12;
	s12 =	simm.s32 $0x6  }
.LBB2_1:
0x19: {  	s0 =	rddreg [dreg:$0x0]  }
0x1a: {  	[tilespmem:s4], [sflag:$0x11] =	stream.linear.gather [hbm4b:s0+s4], $0x4000, $0x38;
	[tilespmem:$0x14000] =	vst v63  }
0x1b: {  	_ =	swait.ge [sflag:s22], $0x4000  }
0x1c: {  	[sflag:s22] =	ssyncset.done $0x0  }
0x1d: {  	s31 =	simm.s32 $0x0;
	[sflag:s22] =	ssyncadd.s32 $0xFFFFC000  }
0x1e: {  	v1 =	vld [tilespmem:s31+$0x70]  }
0x1f: {  	v5 =	vld [tilespmem:s31+$0x0]  }
0x20: {  	v6 =	vld [tilespmem:s31+$0x10]  }
0x21: {  	v4 =	vld [tilespmem:s31+$0x20]  }
0x22: {  	v3 =	vld [tilespmem:s31+$0x30]  }
0x23: {  	v0 =	vld [tilespmem:s31+$0x40];
	v7 =	vcvt.s32.f32 v1  }
0x24: {  	v1 =	vld [tilespmem:s31+$0x50];
	v5 =	vcvt.s32.f32 v5  }
0x25: {  	s18 =	simm.s32 $0x80;
	s0 =	simm.s32 $0x400;
	v2 =	vld [tilespmem:s31+$0x60];
	v6 =	vcvt.s32.f32 v6;
	[tilespmem:s31+$0x4070] =	vst v7  }
.LBB2_2:
0x26: {  	p0 =	sne.s32 s0, $0x7E00;
	v7 =	vld [tilespmem:s18+$0x70];
	[tilespmem:s31+$0x4000] =	vst v5;
	v4 =	vcvt.s32.f32 v4  }
0x27: {  	v5 =	vld [tilespmem:s18+$0x0];
	[tilespmem:s31+$0x4010] =	vst v6;
	v3 =	vcvt.s32.f32 v3  }
0x28: {  	v6 =	vld [tilespmem:s18+$0x10];
	[tilespmem:s31+$0x4020] =	vst v4;
	v0 =	vcvt.s32.f32 v0  }
.Ltmp0:
0x29: {  	v4 =	vld [tilespmem:s18+$0x20];
	[tilespmem:s31+$0x4030] =	vst v3;
	v1 =	vcvt.s32.f32 v1;
	(pc) =	sbr.rel @p0 .LBB2_2-.Ltmp0, $4  }
0x2a: {  	v3 =	vld [tilespmem:s18+$0x30];
	[tilespmem:s31+$0x4040] =	vst v0;
	v2 =	vcvt.s32.f32 v2  }
0x2b: {  	v0 =	vld [tilespmem:s18+$0x40];
	v7 =	vcvt.s32.f32 v7;
	[tilespmem:s31+$0x4050] =	vst v1  }
0x2c: {  	v5 =	vcvt.s32.f32 v5;
	v1 =	vld [tilespmem:s18+$0x50];
	[tilespmem:s31+$0x4060] =	vst v2;
	s31 =	smov.u32 s18  }
0x2d: {  	s18 =	sshra.s32 s0, $0x2;
	s0 =	sadd.s32 $0x200, s0;
	v6 =	vcvt.s32.f32 v6;
	v2 =	vld [tilespmem:s31+$0x60];
	[tilespmem:s31+$0x4070] =	vst v7  }
0x2e: {  	v7 =	vld [tilespmem:s18+$0x70];
	[tilespmem:s31+$0x4000] =	vst v5;
	v4 =	vcvt.s32.f32 v4  }
0x2f: {  	v5 =	vld [tilespmem:s18+$0x0];
	[tilespmem:s31+$0x4010] =	vst v6;
	v3 =	vcvt.s32.f32 v3  }
0x30: {  	v6 =	vld [tilespmem:s18+$0x10];
	[tilespmem:s31+$0x4020] =	vst v4;
	v0 =	vcvt.s32.f32 v0  }
0x31: {  	v4 =	vld [tilespmem:s18+$0x20];
	[tilespmem:s31+$0x4030] =	vst v3;
	v1 =	vcvt.s32.f32 v1  }
0x32: {  	v3 =	vld [tilespmem:s18+$0x30];
	[tilespmem:s31+$0x4040] =	vst v0;
	v2 =	vcvt.s32.f32 v2  }
0x33: {  	v0 =	vld [tilespmem:s18+$0x40];
	[tilespmem:s31+$0x4050] =	vst v1;
	v7 =	vcvt.s32.f32 v7  }
0x34: {  	v1 =	vld [tilespmem:s18+$0x50];
	[tilespmem:s31+$0x4060] =	vst v2;
	v2 =	vcvt.s32.f32 v5  }
0x35: {  	v5 =	vld [tilespmem:s18+$0x60];
	v6 =	vcvt.s32.f32 v6;
	[tilespmem:s18+$0x4070] =	vst v7  }
0x36: {  	[tilespmem:s18+$0x4000] =	vst v2;
	v2 =	vcvt.s32.f32 v4  }
0x37: {  	[tilespmem:s18+$0x4010] =	vst v6;
	v3 =	vcvt.s32.f32 v3  }
0x38: {  	[tilespmem:s18+$0x4020] =	vst v2;
	v0 =	vcvt.s32.f32 v0  }
0x39: {  	[tilespmem:s18+$0x4030] =	vst v3;
	v1 =	vcvt.s32.f32 v1  }
0x3a: {  	[tilespmem:s18+$0x4040] =	vst v0;
	v0 =	vcvt.s32.f32 v5  }
0x3b: {  	[tilespmem:s18+$0x4050] =	vst v1  }
0x3c: {  	s0 =	simm.s32 $0x4000;
	s31 =	simm.s32 $0x0;
	[tilespmem:s18+$0x4060] =	vst v0  }
0x3d: {  	[tilespmem:s0], [sflag:$0x1] =	stream.indirect.gather.add.f32 [hbm:s2], $0x80, s5, s23, $0xb8;
	[tilespmem:$0x14000] =	vst v63  }
0x3e: {  	v1 =	vld [tilespmem:s31+$0x2070]  }
0x3f: {  	v5 =	vld [tilespmem:s31+$0x2000]  }
0x40: {  	v6 =	vld [tilespmem:s31+$0x2010]  }
0x41: {  	v4 =	vld [tilespmem:s31+$0x2020]  }
0x42: {  	v3 =	vld [tilespmem:s31+$0x2030]  }
0x43: {  	v0 =	vld [tilespmem:s31+$0x2040];
	v7 =	vcvt.s32.f32 v1  }
0x44: {  	v1 =	vld [tilespmem:s31+$0x2050];
	v5 =	vcvt.s32.f32 v5  }
0x45: {  	s18 =	simm.s32 $0x80;
	s0 =	simm.s32 $0x400;
	v2 =	vld [tilespmem:s31+$0x2060];
	v6 =	vcvt.s32.f32 v6;
	[tilespmem:s31+$0x6070] =	vst v7  }
.LBB2_4:
0x46: {  	p0 =	sne.s32 s0, $0x7E00;
	v7 =	vld [tilespmem:s18+$0x2070];
	[tilespmem:s31+$0x6000] =	vst v5;
	v4 =	vcvt.s32.f32 v4  }
0x47: {  	v5 =	vld [tilespmem:s18+$0x2000];
	[tilespmem:s31+$0x6010] =	vst v6;
	v3 =	vcvt.s32.f32 v3  }
0x48: {  	v6 =	vld [tilespmem:s18+$0x2010];
	[tilespmem:s31+$0x6020] =	vst v4;
	v0 =	vcvt.s32.f32 v0  }
.Ltmp1:
0x49: {  	v4 =	vld [tilespmem:s18+$0x2020];
	[tilespmem:s31+$0x6030] =	vst v3;
	v1 =	vcvt.s32.f32 v1;
	(pc) =	sbr.rel @p0 .LBB2_4-.Ltmp1, $4  }
0x4a: {  	v3 =	vld [tilespmem:s18+$0x2030];
	[tilespmem:s31+$0x6040] =	vst v0;
	v2 =	vcvt.s32.f32 v2  }
0x4b: {  	v0 =	vld [tilespmem:s18+$0x2040];
	v7 =	vcvt.s32.f32 v7;
	[tilespmem:s31+$0x6050] =	vst v1  }
0x4c: {  	v5 =	vcvt.s32.f32 v5;
	v1 =	vld [tilespmem:s18+$0x2050];
	[tilespmem:s31+$0x6060] =	vst v2;
	s31 =	smov.u32 s18  }
0x4d: {  	s18 =	sshra.s32 s0, $0x2;
	s0 =	sadd.s32 $0x200, s0;
	v6 =	vcvt.s32.f32 v6;
	v2 =	vld [tilespmem:s31+$0x2060];
	[tilespmem:s31+$0x6070] =	vst v7  }
0x4e: {  	v7 =	vld [tilespmem:s18+$0x2070];
	[tilespmem:s31+$0x6000] =	vst v5;
	v4 =	vcvt.s32.f32 v4  }
0x4f: {  	v5 =	vld [tilespmem:s18+$0x2000];
	[tilespmem:s31+$0x6010] =	vst v6;
	v3 =	vcvt.s32.f32 v3  }
0x50: {  	v6 =	vld [tilespmem:s18+$0x2010];
	[tilespmem:s31+$0x6020] =	vst v4;
	v0 =	vcvt.s32.f32 v0  }
0x51: {  	v4 =	vld [tilespmem:s18+$0x2020];
	[tilespmem:s31+$0x6030] =	vst v3;
	v1 =	vcvt.s32.f32 v1  }
0x52: {  	v3 =	vld [tilespmem:s18+$0x2030];
	[tilespmem:s31+$0x6040] =	vst v0;
	v2 =	vcvt.s32.f32 v2  }
0x53: {  	v0 =	vld [tilespmem:s18+$0x2040];
	[tilespmem:s31+$0x6050] =	vst v1;
	v7 =	vcvt.s32.f32 v7  }
0x54: {  	v1 =	vld [tilespmem:s18+$0x2050];
	[tilespmem:s31+$0x6060] =	vst v2;
	v2 =	vcvt.s32.f32 v5  }
0x55: {  	v5 =	vld [tilespmem:s18+$0x2060];
	v6 =	vcvt.s32.f32 v6;
	[tilespmem:s18+$0x6070] =	vst v7  }
0x56: {  	[tilespmem:s18+$0x6000] =	vst v2;
	v2 =	vcvt.s32.f32 v4  }
0x57: {  	[tilespmem:s18+$0x6010] =	vst v6;
	v3 =	vcvt.s32.f32 v3  }
0x58: {  	[tilespmem:s18+$0x6020] =	vst v2;
	v0 =	vcvt.s32.f32 v0  }
0x59: {  	[tilespmem:s18+$0x6030] =	vst v3;
	v1 =	vcvt.s32.f32 v1  }
0x5a: {  	[tilespmem:s18+$0x6040] =	vst v0;
	v0 =	vcvt.s32.f32 v5  }
0x5b: {  	[tilespmem:s18+$0x6050] =	vst v1  }
0x5c: {  	s0 =	rddreg [dreg:$0x4];
	s31 =	simm.s32 $0x0;
	[tilespmem:s18+$0x6060] =	vst v0;
	s18 =	simm.s32 $0x6000  }
0x5d: {  	[tilespmem:s18], [sflag:$0x2] =	stream.indirect.gather.add.f32 [hbm:s2], $0x80, s0, s23, $0xb8;
	[tilespmem:$0x14000] =	vst v63  }
0x5e: {  	v1 =	vld [tilespmem:s31+$0x70]  }
0x5f: {  	v5 =	vld [tilespmem:s31+$0x0]  }
0x60: {  	v6 =	vld [tilespmem:s31+$0x10]  }
0x61: {  	v4 =	vld [tilespmem:s31+$0x20]  }
0x62: {  	v3 =	vld [tilespmem:s31+$0x30]  }
0x63: {  	v0 =	vld [tilespmem:s31+$0x40];
	v7 =	vcvt.s32.f32 v1  }
0x64: {  	v1 =	vld [tilespmem:s31+$0x50];
	v5 =	vcvt.s32.f32 v5  }
0x65: {  	s18 =	simm.s32 $0x80;
	s0 =	simm.s32 $0x400;
	v2 =	vld [tilespmem:s31+$0x60];
	v6 =	vcvt.s32.f32 v6;
	[tilespmem:s31+$0x8070] =	vst v7  }
.LBB2_6:
0x66: {  	p0 =	sne.s32 s0, $0x7E00;
	v7 =	vld [tilespmem:s18+$0x70];
	[tilespmem:s31+$0x8000] =	vst v5;
	v4 =	vcvt.s32.f32 v4  }
0x67: {  	v5 =	vld [tilespmem:s18+$0x0];
	[tilespmem:s31+$0x8010] =	vst v6;
	v3 =	vcvt.s32.f32 v3  }
0x68: {  	v6 =	vld [tilespmem:s18+$0x10];
	[tilespmem:s31+$0x8020] =	vst v4;
	v0 =	vcvt.s32.f32 v0  }
.Ltmp2:
0x69: {  	v4 =	vld [tilespmem:s18+$0x20];
	[tilespmem:s31+$0x8030] =	vst v3;
	v1 =	vcvt.s32.f32 v1;
	(pc) =	sbr.rel @p0 .LBB2_6-.Ltmp2, $4  }
0x6a: {  	v3 =	vld [tilespmem:s18+$0x30];
	[tilespmem:s31+$0x8040] =	vst v0;
	v2 =	vcvt.s32.f32 v2  }
0x6b: {  	v0 =	vld [tilespmem:s18+$0x40];
	v7 =	vcvt.s32.f32 v7;
	[tilespmem:s31+$0x8050] =	vst v1  }
0x6c: {  	v5 =	vcvt.s32.f32 v5;
	v1 =	vld [tilespmem:s18+$0x50];
	[tilespmem:s31+$0x8060] =	vst v2;
	s31 =	smov.u32 s18  }
0x6d: {  	s18 =	sshra.s32 s0, $0x2;
	s0 =	sadd.s32 $0x200, s0;
	v6 =	vcvt.s32.f32 v6;
	v2 =	vld [tilespmem:s31+$0x60];
	[tilespmem:s31+$0x8070] =	vst v7  }
0x6e: {  	v7 =	vld [tilespmem:s18+$0x70];
	[tilespmem:s31+$0x8000] =	vst v5;
	v4 =	vcvt.s32.f32 v4  }
0x6f: {  	v5 =	vld [tilespmem:s18+$0x0];
	[tilespmem:s31+$0x8010] =	vst v6;
	v3 =	vcvt.s32.f32 v3  }
0x70: {  	v6 =	vld [tilespmem:s18+$0x10];
	[tilespmem:s31+$0x8020] =	vst v4;
	v0 =	vcvt.s32.f32 v0  }
0x71: {  	v4 =	vld [tilespmem:s18+$0x20];
	[tilespmem:s31+$0x8030] =	vst v3;
	v1 =	vcvt.s32.f32 v1  }
0x72: {  	v3 =	vld [tilespmem:s18+$0x30];
	[tilespmem:s31+$0x8040] =	vst v0;
	v2 =	vcvt.s32.f32 v2  }
0x73: {  	v0 =	vld [tilespmem:s18+$0x40];
	[tilespmem:s31+$0x8050] =	vst v1;
	v7 =	vcvt.s32.f32 v7  }
0x74: {  	v1 =	vld [tilespmem:s18+$0x50];
	[tilespmem:s31+$0x8060] =	vst v2;
	v2 =	vcvt.s32.f32 v5  }
0x75: {  	v5 =	vld [tilespmem:s18+$0x60];
	v6 =	vcvt.s32.f32 v6;
	[tilespmem:s18+$0x8070] =	vst v7  }
0x76: {  	[tilespmem:s18+$0x8000] =	vst v2;
	v2 =	vcvt.s32.f32 v4  }
0x77: {  	[tilespmem:s18+$0x8010] =	vst v6;
	v3 =	vcvt.s32.f32 v3  }
0x78: {  	[tilespmem:s18+$0x8020] =	vst v2;
	v0 =	vcvt.s32.f32 v0  }
0x79: {  	[tilespmem:s18+$0x8030] =	vst v3;
	v1 =	vcvt.s32.f32 v1  }
0x7a: {  	[tilespmem:s18+$0x8040] =	vst v0;
	v0 =	vcvt.s32.f32 v5  }
0x7b: {  	[tilespmem:s18+$0x8050] =	vst v1  }
0x7c: {  	s0 =	simm.s32 $0x8000;
	s31 =	simm.s32 $0x0;
	[tilespmem:s18+$0x8060] =	vst v0  }
0x7d: {  	[tilespmem:s0], [sflag:$0x3] =	stream.indirect.gather.add.f32 [hbm:s2], $0x80, s7, s23, $0xb8;
	[tilespmem:$0x14000] =	vst v63  }
0x7e: {  	v1 =	vld [tilespmem:s31+$0x2070]  }
0x7f: {  	v5 =	vld [tilespmem:s31+$0x2000]  }
0x80: {  	v6 =	vld [tilespmem:s31+$0x2010]  }
0x81: {  	v4 =	vld [tilespmem:s31+$0x2020]  }
0x82: {  	v3 =	vld [tilespmem:s31+$0x2030]  }
0x83: {  	v0 =	vld [tilespmem:s31+$0x2040];
	v7 =	vcvt.s32.f32 v1  }
0x84: {  	v1 =	vld [tilespmem:s31+$0x2050];
	v5 =	vcvt.s32.f32 v5  }
0x85: {  	s18 =	simm.s32 $0x80;
	s0 =	simm.s32 $0x400;
	v2 =	vld [tilespmem:s31+$0x2060];
	v6 =	vcvt.s32.f32 v6;
	[tilespmem:s31+$0xA070] =	vst v7  }
.LBB2_8:
0x86: {  	p0 =	sne.s32 s0, $0x7E00;
	v7 =	vld [tilespmem:s18+$0x2070];
	[tilespmem:s31+$0xA000] =	vst v5;
	v4 =	vcvt.s32.f32 v4  }
0x87: {  	v5 =	vld [tilespmem:s18+$0x2000];
	[tilespmem:s31+$0xA010] =	vst v6;
	v3 =	vcvt.s32.f32 v3  }
0x88: {  	v6 =	vld [tilespmem:s18+$0x2010];
	[tilespmem:s31+$0xA020] =	vst v4;
	v0 =	vcvt.s32.f32 v0  }
.Ltmp3:
0x89: {  	v4 =	vld [tilespmem:s18+$0x2020];
	[tilespmem:s31+$0xA030] =	vst v3;
	v1 =	vcvt.s32.f32 v1;
	(pc) =	sbr.rel @p0 .LBB2_8-.Ltmp3, $4  }
0x8a: {  	v3 =	vld [tilespmem:s18+$0x2030];
	[tilespmem:s31+$0xA040] =	vst v0;
	v2 =	vcvt.s32.f32 v2  }
0x8b: {  	v0 =	vld [tilespmem:s18+$0x2040];
	v7 =	vcvt.s32.f32 v7;
	[tilespmem:s31+$0xA050] =	vst v1  }
0x8c: {  	v5 =	vcvt.s32.f32 v5;
	v1 =	vld [tilespmem:s18+$0x2050];
	[tilespmem:s31+$0xA060] =	vst v2;
	s31 =	smov.u32 s18  }
0x8d: {  	s18 =	sshra.s32 s0, $0x2;
	s0 =	sadd.s32 $0x200, s0;
	v6 =	vcvt.s32.f32 v6;
	v2 =	vld [tilespmem:s31+$0x2060];
	[tilespmem:s31+$0xA070] =	vst v7  }
0x8e: {  	v7 =	vld [tilespmem:s18+$0x2070];
	[tilespmem:s31+$0xA000] =	vst v5;
	v4 =	vcvt.s32.f32 v4  }
0x8f: {  	v5 =	vld [tilespmem:s18+$0x2000];
	[tilespmem:s31+$0xA010] =	vst v6;
	v3 =	vcvt.s32.f32 v3  }
0x90: {  	v6 =	vld [tilespmem:s18+$0x2010];
	[tilespmem:s31+$0xA020] =	vst v4;
	v0 =	vcvt.s32.f32 v0  }
0x91: {  	v4 =	vld [tilespmem:s18+$0x2020];
	[tilespmem:s31+$0xA030] =	vst v3;
	v1 =	vcvt.s32.f32 v1  }
0x92: {  	v3 =	vld [tilespmem:s18+$0x2030];
	[tilespmem:s31+$0xA040] =	vst v0;
	v2 =	vcvt.s32.f32 v2  }
0x93: {  	v0 =	vld [tilespmem:s18+$0x2040];
	[tilespmem:s31+$0xA050] =	vst v1;
	v7 =	vcvt.s32.f32 v7  }
0x94: {  	v1 =	vld [tilespmem:s18+$0x2050];
	[tilespmem:s31+$0xA060] =	vst v2;
	v2 =	vcvt.s32.f32 v5  }
0x95: {  	v5 =	vld [tilespmem:s18+$0x2060];
	v6 =	vcvt.s32.f32 v6;
	[tilespmem:s18+$0xA070] =	vst v7  }
0x96: {  	[tilespmem:s18+$0xA000] =	vst v2;
	v2 =	vcvt.s32.f32 v4  }
0x97: {  	[tilespmem:s18+$0xA010] =	vst v6;
	v3 =	vcvt.s32.f32 v3  }
0x98: {  	[tilespmem:s18+$0xA020] =	vst v2;
	v0 =	vcvt.s32.f32 v0  }
0x99: {  	[tilespmem:s18+$0xA030] =	vst v3;
	v1 =	vcvt.s32.f32 v1  }
0x9a: {  	[tilespmem:s18+$0xA040] =	vst v0;
	v0 =	vcvt.s32.f32 v5  }
0x9b: {  	[tilespmem:s18+$0xA050] =	vst v1  }
0x9c: {  	s0 =	rddreg [dreg:$0x5];
	s31 =	simm.s32 $0x0;
	[tilespmem:s18+$0xA060] =	vst v0;
	s18 =	simm.s32 $0xA000  }
0x9d: {  	[tilespmem:s18], [sflag:$0x4] =	stream.indirect.gather.add.f32 [hbm:s2], $0x80, s0, s23, $0xb8;
	[tilespmem:$0x14000] =	vst v63  }
0x9e: {  	v1 =	vld [tilespmem:s31+$0x70]  }
0x9f: {  	v5 =	vld [tilespmem:s31+$0x0]  }
0xa0: {  	v6 =	vld [tilespmem:s31+$0x10]  }
0xa1: {  	v4 =	vld [tilespmem:s31+$0x20]  }
0xa2: {  	v3 =	vld [tilespmem:s31+$0x30]  }
0xa3: {  	v0 =	vld [tilespmem:s31+$0x40];
	v7 =	vcvt.s32.f32 v1  }
0xa4: {  	v1 =	vld [tilespmem:s31+$0x50];
	v5 =	vcvt.s32.f32 v5  }
0xa5: {  	s18 =	simm.s32 $0x80;
	s0 =	simm.s32 $0x400;
	v2 =	vld [tilespmem:s31+$0x60];
	v6 =	vcvt.s32.f32 v6;
	[tilespmem:s31+$0xC070] =	vst v7  }
.LBB2_10:
0xa6: {  	p0 =	sne.s32 s0, $0x7E00;
	v7 =	vld [tilespmem:s18+$0x70];
	[tilespmem:s31+$0xC000] =	vst v5;
	v4 =	vcvt.s32.f32 v4  }
0xa7: {  	v5 =	vld [tilespmem:s18+$0x0];
	[tilespmem:s31+$0xC010] =	vst v6;
	v3 =	vcvt.s32.f32 v3  }
0xa8: {  	v6 =	vld [tilespmem:s18+$0x10];
	[tilespmem:s31+$0xC020] =	vst v4;
	v0 =	vcvt.s32.f32 v0  }
.Ltmp4:
0xa9: {  	v4 =	vld [tilespmem:s18+$0x20];
	[tilespmem:s31+$0xC030] =	vst v3;
	v1 =	vcvt.s32.f32 v1;
	(pc) =	sbr.rel @p0 .LBB2_10-.Ltmp4, $4  }
0xaa: {  	v3 =	vld [tilespmem:s18+$0x30];
	[tilespmem:s31+$0xC040] =	vst v0;
	v2 =	vcvt.s32.f32 v2  }
0xab: {  	v0 =	vld [tilespmem:s18+$0x40];
	v7 =	vcvt.s32.f32 v7;
	[tilespmem:s31+$0xC050] =	vst v1  }
0xac: {  	v5 =	vcvt.s32.f32 v5;
	v1 =	vld [tilespmem:s18+$0x50];
	[tilespmem:s31+$0xC060] =	vst v2;
	s31 =	smov.u32 s18  }
0xad: {  	s18 =	sshra.s32 s0, $0x2;
	s0 =	sadd.s32 $0x200, s0;
	v6 =	vcvt.s32.f32 v6;
	v2 =	vld [tilespmem:s31+$0x60];
	[tilespmem:s31+$0xC070] =	vst v7  }
0xae: {  	v7 =	vld [tilespmem:s18+$0x70];
	[tilespmem:s31+$0xC000] =	vst v5;
	v4 =	vcvt.s32.f32 v4  }
0xaf: {  	v5 =	vld [tilespmem:s18+$0x0];
	[tilespmem:s31+$0xC010] =	vst v6;
	v3 =	vcvt.s32.f32 v3  }
0xb0: {  	v6 =	vld [tilespmem:s18+$0x10];
	[tilespmem:s31+$0xC020] =	vst v4;
	v0 =	vcvt.s32.f32 v0  }
0xb1: {  	v4 =	vld [tilespmem:s18+$0x20];
	[tilespmem:s31+$0xC030] =	vst v3;
	v1 =	vcvt.s32.f32 v1  }
0xb2: {  	v3 =	vld [tilespmem:s18+$0x30];
	[tilespmem:s31+$0xC040] =	vst v0;
	v2 =	vcvt.s32.f32 v2  }
0xb3: {  	v0 =	vld [tilespmem:s18+$0x40];
	[tilespmem:s31+$0xC050] =	vst v1;
	v7 =	vcvt.s32.f32 v7  }
0xb4: {  	v1 =	vld [tilespmem:s18+$0x50];
	[tilespmem:s31+$0xC060] =	vst v2;
	v2 =	vcvt.s32.f32 v5  }
0xb5: {  	v5 =	vld [tilespmem:s18+$0x60];
	v6 =	vcvt.s32.f32 v6;
	[tilespmem:s18+$0xC070] =	vst v7  }
0xb6: {  	[tilespmem:s18+$0xC000] =	vst v2;
	v2 =	vcvt.s32.f32 v4  }
0xb7: {  	[tilespmem:s18+$0xC010] =	vst v6;
	v3 =	vcvt.s32.f32 v3  }
0xb8: {  	[tilespmem:s18+$0xC020] =	vst v2;
	v0 =	vcvt.s32.f32 v0  }
0xb9: {  	[tilespmem:s18+$0xC030] =	vst v3;
	v1 =	vcvt.s32.f32 v1  }
0xba: {  	[tilespmem:s18+$0xC040] =	vst v0;
	v0 =	vcvt.s32.f32 v5  }
0xbb: {  	[tilespmem:s18+$0xC050] =	vst v1  }
0xbc: {  	s0 =	simm.s32 $0xC000;
	s31 =	simm.s32 $0x0;
	[tilespmem:s18+$0xC060] =	vst v0  }
0xbd: {  	[tilespmem:s0], [sflag:$0x5] =	stream.indirect.gather.add.f32 [hbm:s2], $0x80, s8, s23, $0xb8;
	[tilespmem:$0x14000] =	vst v63  }
0xbe: {  	v1 =	vld [tilespmem:s31+$0x2070]  }
0xbf: {  	v5 =	vld [tilespmem:s31+$0x2000]  }
0xc0: {  	v6 =	vld [tilespmem:s31+$0x2010]  }
0xc1: {  	v4 =	vld [tilespmem:s31+$0x2020]  }
0xc2: {  	v3 =	vld [tilespmem:s31+$0x2030]  }
0xc3: {  	v0 =	vld [tilespmem:s31+$0x2040];
	v7 =	vcvt.s32.f32 v1  }
0xc4: {  	v1 =	vld [tilespmem:s31+$0x2050];
	v5 =	vcvt.s32.f32 v5  }
0xc5: {  	s18 =	simm.s32 $0x80;
	s0 =	simm.s32 $0x400;
	v2 =	vld [tilespmem:s31+$0x2060];
	v6 =	vcvt.s32.f32 v6;
	[tilespmem:s31+$0xE070] =	vst v7  }
.LBB2_12:
0xc6: {  	p0 =	sne.s32 s0, $0x7E00;
	v7 =	vld [tilespmem:s18+$0x2070];
	[tilespmem:s31+$0xE000] =	vst v5;
	v4 =	vcvt.s32.f32 v4  }
0xc7: {  	v5 =	vld [tilespmem:s18+$0x2000];
	[tilespmem:s31+$0xE010] =	vst v6;
	v3 =	vcvt.s32.f32 v3  }
0xc8: {  	v6 =	vld [tilespmem:s18+$0x2010];
	[tilespmem:s31+$0xE020] =	vst v4;
	v0 =	vcvt.s32.f32 v0  }
.Ltmp5:
0xc9: {  	v4 =	vld [tilespmem:s18+$0x2020];
	[tilespmem:s31+$0xE030] =	vst v3;
	v1 =	vcvt.s32.f32 v1;
	(pc) =	sbr.rel @p0 .LBB2_12-.Ltmp5, $4  }
0xca: {  	v3 =	vld [tilespmem:s18+$0x2030];
	[tilespmem:s31+$0xE040] =	vst v0;
	v2 =	vcvt.s32.f32 v2  }
0xcb: {  	v0 =	vld [tilespmem:s18+$0x2040];
	v7 =	vcvt.s32.f32 v7;
	[tilespmem:s31+$0xE050] =	vst v1  }
0xcc: {  	v5 =	vcvt.s32.f32 v5;
	v1 =	vld [tilespmem:s18+$0x2050];
	[tilespmem:s31+$0xE060] =	vst v2;
	s31 =	smov.u32 s18  }
0xcd: {  	s18 =	sshra.s32 s0, $0x2;
	s0 =	sadd.s32 $0x200, s0;
	v6 =	vcvt.s32.f32 v6;
	v2 =	vld [tilespmem:s31+$0x2060];
	[tilespmem:s31+$0xE070] =	vst v7  }
0xce: {  	v7 =	vld [tilespmem:s18+$0x2070];
	[tilespmem:s31+$0xE000] =	vst v5;
	v4 =	vcvt.s32.f32 v4  }
0xcf: {  	v5 =	vld [tilespmem:s18+$0x2000];
	[tilespmem:s31+$0xE010] =	vst v6;
	v3 =	vcvt.s32.f32 v3  }
0xd0: {  	v6 =	vld [tilespmem:s18+$0x2010];
	[tilespmem:s31+$0xE020] =	vst v4;
	v0 =	vcvt.s32.f32 v0  }
0xd1: {  	v4 =	vld [tilespmem:s18+$0x2020];
	[tilespmem:s31+$0xE030] =	vst v3;
	v1 =	vcvt.s32.f32 v1  }
0xd2: {  	v3 =	vld [tilespmem:s18+$0x2030];
	[tilespmem:s31+$0xE040] =	vst v0;
	v2 =	vcvt.s32.f32 v2  }
0xd3: {  	v0 =	vld [tilespmem:s18+$0x2040];
	[tilespmem:s31+$0xE050] =	vst v1;
	v7 =	vcvt.s32.f32 v7  }
0xd4: {  	v1 =	vld [tilespmem:s18+$0x2050];
	[tilespmem:s31+$0xE060] =	vst v2;
	v2 =	vcvt.s32.f32 v5  }
0xd5: {  	v5 =	vld [tilespmem:s18+$0x2060];
	v6 =	vcvt.s32.f32 v6;
	[tilespmem:s18+$0xE070] =	vst v7  }
0xd6: {  	[tilespmem:s18+$0xE000] =	vst v2;
	v2 =	vcvt.s32.f32 v4  }
0xd7: {  	[tilespmem:s18+$0xE010] =	vst v6;
	v3 =	vcvt.s32.f32 v3  }
0xd8: {  	[tilespmem:s18+$0xE020] =	vst v2;
	v0 =	vcvt.s32.f32 v0  }
0xd9: {  	[tilespmem:s18+$0xE030] =	vst v3;
	v1 =	vcvt.s32.f32 v1  }
0xda: {  	[tilespmem:s18+$0xE040] =	vst v0;
	v0 =	vcvt.s32.f32 v5  }
0xdb: {  	[tilespmem:s18+$0xE050] =	vst v1  }
0xdc: {  	s0 =	rddreg [dreg:$0x6];
	s31 =	simm.s32 $0x0;
	[tilespmem:s18+$0xE060] =	vst v0;
	s18 =	simm.s32 $0xE000  }
0xdd: {  	[tilespmem:s18], [sflag:$0x6] =	stream.indirect.gather.add.f32 [hbm:s2], $0x80, s0, s23, $0xb8;
	[tilespmem:$0x14000] =	vst v63  }
0xde: {  	v1 =	vld [tilespmem:s31+$0x70]  }
0xdf: {  	v5 =	vld [tilespmem:s31+$0x0]  }
0xe0: {  	v6 =	vld [tilespmem:s31+$0x10]  }
0xe1: {  	v4 =	vld [tilespmem:s31+$0x20]  }
0xe2: {  	v3 =	vld [tilespmem:s31+$0x30]  }
0xe3: {  	v0 =	vld [tilespmem:s31+$0x40];
	v7 =	vcvt.s32.f32 v1  }
0xe4: {  	v1 =	vld [tilespmem:s31+$0x50];
	v5 =	vcvt.s32.f32 v5  }
0xe5: {  	s18 =	simm.s32 $0x80;
	s0 =	simm.s32 $0x400;
	v2 =	vld [tilespmem:s31+$0x60];
	v6 =	vcvt.s32.f32 v6;
	[tilespmem:s31+$0x10070] =	vst v7  }
.LBB2_14:
0xe6: {  	p0 =	sne.s32 s0, $0x7E00;
	v7 =	vld [tilespmem:s18+$0x70];
	[tilespmem:s31+$0x10000] =	vst v5;
	v4 =	vcvt.s32.f32 v4  }
0xe7: {  	v5 =	vld [tilespmem:s18+$0x0];
	[tilespmem:s31+$0x10010] =	vst v6;
	v3 =	vcvt.s32.f32 v3  }
0xe8: {  	v6 =	vld [tilespmem:s18+$0x10];
	[tilespmem:s31+$0x10020] =	vst v4;
	v0 =	vcvt.s32.f32 v0  }
.Ltmp6:
0xe9: {  	v4 =	vld [tilespmem:s18+$0x20];
	[tilespmem:s31+$0x10030] =	vst v3;
	v1 =	vcvt.s32.f32 v1;
	(pc) =	sbr.rel @p0 .LBB2_14-.Ltmp6, $4  }
0xea: {  	v3 =	vld [tilespmem:s18+$0x30];
	[tilespmem:s31+$0x10040] =	vst v0;
	v2 =	vcvt.s32.f32 v2  }
0xeb: {  	v0 =	vld [tilespmem:s18+$0x40];
	v7 =	vcvt.s32.f32 v7;
	[tilespmem:s31+$0x10050] =	vst v1  }
0xec: {  	v5 =	vcvt.s32.f32 v5;
	v1 =	vld [tilespmem:s18+$0x50];
	[tilespmem:s31+$0x10060] =	vst v2;
	s31 =	smov.u32 s18  }
0xed: {  	s18 =	sshra.s32 s0, $0x2;
	s0 =	sadd.s32 $0x200, s0;
	v6 =	vcvt.s32.f32 v6;
	v2 =	vld [tilespmem:s31+$0x60];
	[tilespmem:s31+$0x10070] =	vst v7  }
0xee: {  	v7 =	vld [tilespmem:s18+$0x70];
	[tilespmem:s31+$0x10000] =	vst v5;
	v4 =	vcvt.s32.f32 v4  }
0xef: {  	v5 =	vld [tilespmem:s18+$0x0];
	[tilespmem:s31+$0x10010] =	vst v6;
	v3 =	vcvt.s32.f32 v3  }
0xf0: {  	v6 =	vld [tilespmem:s18+$0x10];
	[tilespmem:s31+$0x10020] =	vst v4;
	v0 =	vcvt.s32.f32 v0  }
0xf1: {  	v4 =	vld [tilespmem:s18+$0x20];
	[tilespmem:s31+$0x10030] =	vst v3;
	v1 =	vcvt.s32.f32 v1  }
0xf2: {  	v3 =	vld [tilespmem:s18+$0x30];
	[tilespmem:s31+$0x10040] =	vst v0;
	v2 =	vcvt.s32.f32 v2  }
0xf3: {  	v0 =	vld [tilespmem:s18+$0x40];
	[tilespmem:s31+$0x10050] =	vst v1;
	v7 =	vcvt.s32.f32 v7  }
0xf4: {  	v1 =	vld [tilespmem:s18+$0x50];
	[tilespmem:s31+$0x10060] =	vst v2;
	v2 =	vcvt.s32.f32 v5  }
0xf5: {  	v5 =	vld [tilespmem:s18+$0x60];
	v6 =	vcvt.s32.f32 v6;
	[tilespmem:s18+$0x10070] =	vst v7  }
0xf6: {  	[tilespmem:s18+$0x10000] =	vst v2;
	v2 =	vcvt.s32.f32 v4  }
0xf7: {  	[tilespmem:s18+$0x10010] =	vst v6;
	v3 =	vcvt.s32.f32 v3  }
0xf8: {  	[tilespmem:s18+$0x10020] =	vst v2;
	v0 =	vcvt.s32.f32 v0  }
0xf9: {  	[tilespmem:s18+$0x10030] =	vst v3;
	v1 =	vcvt.s32.f32 v1  }
0xfa: {  	[tilespmem:s18+$0x10040] =	vst v0;
	v0 =	vcvt.s32.f32 v5  }
0xfb: {  	[tilespmem:s18+$0x10050] =	vst v1  }
0xfc: {  	s0 =	simm.s32 $0x10000;
	s31 =	simm.s32 $0x0;
	[tilespmem:s18+$0x10060] =	vst v0  }
0xfd: {  	[tilespmem:s0], [sflag:$0x7] =	stream.indirect.gather.add.f32 [hbm:s2], $0x80, s11, s23, $0xb8;
	[tilespmem:$0x14000] =	vst v63  }
0xfe: {  	v1 =	vld [tilespmem:s31+$0x2070]  }
0xff: {  	v5 =	vld [tilespmem:s31+$0x2000]  }
0x100: {  	v6 =	vld [tilespmem:s31+$0x2010]  }
0x101: {  	v4 =	vld [tilespmem:s31+$0x2020]  }
0x102: {  	v3 =	vld [tilespmem:s31+$0x2030]  }
0x103: {  	v0 =	vld [tilespmem:s31+$0x2040];
	v7 =	vcvt.s32.f32 v1  }
0x104: {  	v1 =	vld [tilespmem:s31+$0x2050];
	v5 =	vcvt.s32.f32 v5  }
0x105: {  	s18 =	simm.s32 $0x80;
	s0 =	simm.s32 $0x400;
	v2 =	vld [tilespmem:s31+$0x2060];
	v6 =	vcvt.s32.f32 v6;
	[tilespmem:s31+$0x12070] =	vst v7  }
.LBB2_16:
0x106: {  	p0 =	sne.s32 s0, $0x7E00;
	v7 =	vld [tilespmem:s18+$0x2070];
	[tilespmem:s31+$0x12000] =	vst v5;
	v4 =	vcvt.s32.f32 v4  }
0x107: {  	v5 =	vld [tilespmem:s18+$0x2000];
	[tilespmem:s31+$0x12010] =	vst v6;
	v3 =	vcvt.s32.f32 v3  }
0x108: {  	v6 =	vld [tilespmem:s18+$0x2010];
	[tilespmem:s31+$0x12020] =	vst v4;
	v0 =	vcvt.s32.f32 v0  }
.Ltmp7:
0x109: {  	v4 =	vld [tilespmem:s18+$0x2020];
	[tilespmem:s31+$0x12030] =	vst v3;
	v1 =	vcvt.s32.f32 v1;
	(pc) =	sbr.rel @p0 .LBB2_16-.Ltmp7, $4  }
0x10a: {  	v3 =	vld [tilespmem:s18+$0x2030];
	[tilespmem:s31+$0x12040] =	vst v0;
	v2 =	vcvt.s32.f32 v2  }
0x10b: {  	v0 =	vld [tilespmem:s18+$0x2040];
	v7 =	vcvt.s32.f32 v7;
	[tilespmem:s31+$0x12050] =	vst v1  }
0x10c: {  	v5 =	vcvt.s32.f32 v5;
	v1 =	vld [tilespmem:s18+$0x2050];
	[tilespmem:s31+$0x12060] =	vst v2;
	s31 =	smov.u32 s18  }
0x10d: {  	s18 =	sshra.s32 s0, $0x2;
	s0 =	sadd.s32 $0x200, s0;
	v6 =	vcvt.s32.f32 v6;
	v2 =	vld [tilespmem:s31+$0x2060];
	[tilespmem:s31+$0x12070] =	vst v7  }
0x10e: {  	v7 =	vld [tilespmem:s18+$0x2070];
	[tilespmem:s31+$0x12000] =	vst v5;
	v4 =	vcvt.s32.f32 v4  }
0x10f: {  	v5 =	vld [tilespmem:s18+$0x2000];
	[tilespmem:s31+$0x12010] =	vst v6;
	v3 =	vcvt.s32.f32 v3  }
0x110: {  	v6 =	vld [tilespmem:s18+$0x2010];
	[tilespmem:s31+$0x12020] =	vst v4;
	v0 =	vcvt.s32.f32 v0  }
0x111: {  	v4 =	vld [tilespmem:s18+$0x2020];
	[tilespmem:s31+$0x12030] =	vst v3;
	v1 =	vcvt.s32.f32 v1  }
0x112: {  	v3 =	vld [tilespmem:s18+$0x2030];
	[tilespmem:s31+$0x12040] =	vst v0;
	v2 =	vcvt.s32.f32 v2  }
0x113: {  	v0 =	vld [tilespmem:s18+$0x2040];
	[tilespmem:s31+$0x12050] =	vst v1;
	v60 =	vcvt.s32.f32 v7  }
0x114: {  	v1 =	vld [tilespmem:s18+$0x2050];
	[tilespmem:s31+$0x12060] =	vst v2;
	v5 =	vcvt.s32.f32 v5  }
0x115: {  	v61 =	vld [tilespmem:s18+$0x2060];
	v6 =	vcvt.s32.f32 v6;
	[tilespmem:s18+$0x12070] =	vst v60  }
0x116: {  	[tilespmem:s18+$0x12000] =	vst v5;
	v62 =	vcvt.s32.f32 v4  }
0x117: {  	[tilespmem:s18+$0x12010] =	vst v6;
	v3 =	vcvt.s32.f32 v3  }
0x118: {  	[tilespmem:s18+$0x12020] =	vst v62;
	v0 =	vcvt.s32.f32 v0  }
0x119: {  	[tilespmem:s18+$0x12030] =	vst v3;
	v1 =	vcvt.s32.f32 v1  }
0x11a: {  	[tilespmem:s18+$0x12040] =	vst v0;
	v63 =	vcvt.s32.f32 v61  }
0x11b: {  	[tilespmem:s18+$0x12050] =	vst v1  }
0x11c: {  	s0 =	rddreg [dreg:$0x7];
	s31 =	simm.s32 $0x12000;
	[tilespmem:s18+$0x12060] =	vst v63  }
0x11d: {  	[tilespmem:s31], [sflag:$0x8] =	stream.indirect.gather.add.f32 [hbm:s2], $0x80, s0, s23, $0xb8;
	[tilespmem:$0x14000] =	vst v63  }
0x11e: {  	_ =	swait.ge [sflag:s3], $0x2000  }
0x11f: {  	[sflag:s3] =	ssyncset.done $0x0  }
0x120: {  	s18 =	simm.s32 $0x4000;
	s0 =	rddreg [dreg:$0x8];
	[sflag:s3] =	ssyncadd.s32 $0xFFFFE000  }
0x121: {  	[hbm4b:s0+s4] =	stream.linear.scatter [tilespmem:s18], [sflag:$0x9], $0x2000, $0x38;
	[tilespmem:$0x14000] =	vst v63  }
0x122: {  	_ =	swait.ge [sflag:s1], $0x2000  }
0x123: {  	[sflag:s1] =	ssyncset.done $0x0  }
0x124: {  	s18 =	simm.s32 $0x6000;
	s0 =	rddreg [dreg:$0x9];
	[sflag:s1] =	ssyncadd.s32 $0xFFFFE000  }
0x125: {  	[hbm4b:s0+s4] =	stream.linear.scatter [tilespmem:s18], [sflag:$0xA], $0x2000, $0x38;
	[tilespmem:$0x14000] =	vst v63  }
0x126: {  	_ =	swait.ge [sflag:s6], $0x2000  }
0x127: {  	[sflag:s6] =	ssyncset.done $0x0  }
0x128: {  	s18 =	simm.s32 $0x8000;
	s0 =	rddreg [dreg:$0xa];
	[sflag:s6] =	ssyncadd.s32 $0xFFFFE000  }
0x129: {  	[hbm4b:s0+s4] =	stream.linear.scatter [tilespmem:s18], [sflag:$0xB], $0x2000, $0x38;
	[tilespmem:$0x14000] =	vst v63  }
0x12a: {  	_ =	swait.ge [sflag:s9], $0x2000  }
0x12b: {  	[sflag:s9] =	ssyncset.done $0x0  }
0x12c: {  	s18 =	simm.s32 $0xA000;
	s0 =	rddreg [dreg:$0xb];
	[sflag:s9] =	ssyncadd.s32 $0xFFFFE000  }
0x12d: {  	[hbm4b:s0+s4] =	stream.linear.scatter [tilespmem:s18], [sflag:$0xC], $0x2000, $0x38;
	[tilespmem:$0x14000] =	vst v63  }
0x12e: {  	_ =	swait.ge [sflag:s10], $0x2000  }
0x12f: {  	[sflag:s10] =	ssyncset.done $0x0  }
0x130: {  	s18 =	simm.s32 $0xC000;
	s0 =	rddreg [dreg:$0xc];
	[sflag:s10] =	ssyncadd.s32 $0xFFFFE000  }
0x131: {  	[hbm4b:s0+s4] =	stream.linear.scatter [tilespmem:s18], [sflag:$0xD], $0x2000, $0x38;
	[tilespmem:$0x14000] =	vst v63  }
0x132: {  	_ =	swait.ge [sflag:s12], $0x2000  }
0x133: {  	[sflag:s12] =	ssyncset.done $0x0  }
0x134: {  	s18 =	simm.s32 $0xE000;
	s0 =	rddreg [dreg:$0xd];
	[sflag:s12] =	ssyncadd.s32 $0xFFFFE000  }
0x135: {  	[hbm4b:s0+s4] =	stream.linear.scatter [tilespmem:s18], [sflag:$0xE], $0x2000, $0x38;
	[tilespmem:$0x14000] =	vst v63  }
0x136: {  	_ =	swait.ge [sflag:s13], $0x2000  }
0x137: {  	[sflag:s13] =	ssyncset.done $0x0  }
0x138: {  	s18 =	simm.s32 $0x10000;
	[sflag:s13] =	ssyncadd.s32 $0xFFFFE000  }
0x139: {  	[hbm4b:s19+s4] =	stream.linear.scatter [tilespmem:s18], [sflag:$0xF], $0x2000, $0x38;
	[tilespmem:$0x14000] =	vst v63  }
0x13a: {  	_ =	swait.ge [sflag:s24], $0x2000  }
0x13b: {  	[sflag:s24] =	ssyncset.done $0x0  }
0x13c: {  	[sflag:s24] =	ssyncadd.s32 $0xFFFFE000  }
0x13d: {  	[hbm4b:s20+s4] =	stream.linear.scatter [tilespmem:s31], [sflag:$0x10], $0x2000, $0x38;
	[tilespmem:$0x14000] =	vst v63  }
0x13e: {  	_ =	swait.ge [sflag:s14], $0x2000  }
0x13f: {  	[sflag:s14] =	ssyncset.done $0x0  }
0x140: {  	[sflag:s14] =	ssyncadd.s32 $0xFFFFE000  }
0x141: {  	_ =	swait.ge [sflag:s25], $0x2000  }
0x142: {  	[sflag:s25] =	ssyncset.done $0x0  }
0x143: {  	[sflag:s25] =	ssyncadd.s32 $0xFFFFE000  }
0x144: {  	_ =	swait.ge [sflag:s26], $0x2000  }
0x145: {  	[sflag:s26] =	ssyncset.done $0x0  }
0x146: {  	[sflag:s26] =	ssyncadd.s32 $0xFFFFE000  }
0x147: {  	_ =	swait.ge [sflag:s15], $0x2000  }
0x148: {  	[sflag:s15] =	ssyncset.done $0x0  }
0x149: {  	[sflag:s15] =	ssyncadd.s32 $0xFFFFE000  }
0x14a: {  	_ =	swait.ge [sflag:s28], $0x2000  }
0x14b: {  	[sflag:s28] =	ssyncset.done $0x0  }
0x14c: {  	[sflag:s28] =	ssyncadd.s32 $0xFFFFE000  }
0x14d: {  	_ =	swait.ge [sflag:s16], $0x2000  }
0x14e: {  	[sflag:s16] =	ssyncset.done $0x0  }
0x14f: {  	s17 =	sadd.s32 $0x1, s17;
	[sflag:s16] =	ssyncadd.s32 $0xFFFFE000  }
0x150: {  	p0 =	sne.s32 s17, s21;
	_ =	swait.ge [sflag:s29], $0x2000  }
.Ltmp8:
0x151: {  	[sflag:s29] =	ssyncset.done $0x0;
	(pc) =	sbr.rel @p0 .LBB2_1-.Ltmp8, $4  }
0x152: {  	[sflag:s29] =	ssyncadd.s32 $0xFFFFE000  }
0x153: {  	_ =	swait.ge [sflag:s30], $0x2000  }
0x154: {  	[sflag:s30] =	ssyncset.done $0x0  }
0x155: {  	[sflag:s30] =	ssyncadd.s32 $0xFFFFE000  }
0x156: {  	_ =	sfence.sel $0x180000  }
0x157: {  	[bflag:$0x0] =	sbarrier.arrive $0xFFFF  }
0x158: {  	_ =	strace $0x90000047  }
0x159: {  	s0 =	stileid.u32;
	[bflag:$0x2] =	sbarrier.arrive $0xFFFF  }
0x15a: {  	p0 =	sne.s32 s0, $0x0;
	s0 =	rddreg [dreg:$0x3]  }
0x15b: {  	s0 =	sadd.s32 @!p0 $0x100000, s0  }
0x15c: {  	[sflag:s0] =	ssyncadd.tile.s32 @!p0 $0x1;
	_ =	shalt  }
.Lfunc_end2:
_tile_overlayer_lowered:
.L_overlay_start_2:
0x15d: {  	(tag) =	ssettag $0x2  }
0x15e: {  	s0 =	rddreg [dreg:$0x0];
	s2 =	stileid.u32  }
0x15f: {  	s1 =	rddreg [dreg:$0x1];
	p0 =	sne.s32 s2, $0x0  }
0x160: {  	s3 =	rddreg [dreg:$0x2];
	[bflag:$0x3] =	sbarrier.arrive $0xFFFF;
	s2 =	simm.s32 @!p0 $0x1C11  }
0x161: {  	[timem:s3], [sflag:s2] =	dma.local @!p0 [hbm:s0], s1  }
0x162: {  	s0 =	simm.s32 @!p0 $0x11  }
0x163: {  	_ =	swait.ge @!p0 [sflag:s0], s1  }
0x164: {  	s1 =	ssub.s32 @!p0 $0x0, s1;
	[sflag:s0] =	ssyncset.done @!p0 $0x0  }
0x165: {  	[sflag:s0] =	ssyncadd.s32 @!p0 s1  }
0x166: {  	[bflag:$0x3] =	sbarrier.arrive $0xFFFF  }
0x167: {  	_ =	shalt  }

</sc_bundles>
